<compile_context>
chip_gen: v7x
topology: tpu7x:2x2x1
jax: 0.10.2.dev20260603
libtpu: 0.0.44.dev20260713+nightly
codegen_flags: <defaults>
</compile_context>

<pallas_src>
import jax
import jax.numpy as jnp
from jax import lax
from jax.experimental import pallas as pl
from jax.experimental.pallas import tpu as pltpu
from jax.experimental.pallas import tpu_sc as plsc

N = 10000
E = 320000
D = 128

NC = 2
NS = 16
NW = NC * NS

EPW = E // NW
CHUNK = 80
NCHUNK = EPW // CHUNK
NPAD = 10240
ROWS_PW = NPAD // NS

_mesh = plsc.VectorSubcoreMesh(core_axis_name="c", subcore_axis_name="s",
                               num_cores=NC, num_subcores=NS)


def _sc_agg_body(h_hbm, src_hbm, dst_hbm, out_hbm, accum, src_v, dst_v,
                 buf0, buf1, sem0, sem1):
    c = lax.axis_index("c")
    s = lax.axis_index("s")
    w = c * NS + s

    pltpu.sync_copy(src_hbm.at[w], src_v)
    pltpu.sync_copy(dst_hbm.at[w], dst_v)

    zv = jnp.zeros((16,), jnp.float32)

    @pl.loop(0, CHUNK)
    def _(i):
        @pl.loop(0, D, step=16, unroll=8)
        def _(j):
            buf0[i, pl.ds(j, 16)] = zv

    @pl.loop(0, ROWS_PW // CHUNK)
    def _(k):
        base = pl.multiple_of(s * ROWS_PW + k * CHUNK, CHUNK)
        pltpu.sync_copy(buf0, accum.at[pl.ds(base, CHUNK)])

    plsc.subcore_barrier()

    def gstart(ci, buf, sem):
        pltpu.async_copy(h_hbm.at[src_v.at[pl.ds(ci * CHUNK, CHUNK)]], buf,
                         sem)

    def gwait(ci, buf, sem):
        pltpu.make_async_copy(h_hbm.at[src_v.at[pl.ds(ci * CHUNK, CHUNK)]],
                              buf, sem).wait()

    def scat(ci, buf):
        del ci, buf

    gstart(0, buf0, sem0)

    @pl.loop(0, (NCHUNK - 1) // 2)
    def _(j):
        ci = 2 * j
        gstart(ci + 1, buf1, sem1)
        gwait(ci, buf0, sem0)
        scat(ci, buf0)
        gstart(ci + 2, buf0, sem0)
        gwait(ci + 1, buf1, sem1)
        scat(ci + 1, buf1)

    gwait(NCHUNK - 1, buf0, sem0)
    scat(NCHUNK - 1, buf0)

    plsc.subcore_barrier()

    obase = pl.multiple_of(s * ROWS_PW, ROWS_PW)
    pltpu.sync_copy(accum.at[pl.ds(obase, ROWS_PW)],
                    out_hbm.at[c, pl.ds(obase, ROWS_PW)])


def _sc_agg(h, src_r, dst_r):
    k = pl.kernel(
        _sc_agg_body,
        out_type=jax.ShapeDtypeStruct((NC, NPAD, D), jnp.float32),
        mesh=_mesh,
        scratch_types=[
            pltpu.VMEM_SHARED((NPAD, D), jnp.float32),
            pltpu.VMEM((EPW,), jnp.int32),
            pltpu.VMEM((NCHUNK, CHUNK), jnp.int32),
            pltpu.VMEM((CHUNK, D), jnp.float32),
            pltpu.VMEM((CHUNK, D), jnp.float32),
            pltpu.SemaphoreType.DMA,
            pltpu.SemaphoreType.DMA,
        ],
    )
    return k(h, src_r, dst_r)


BLK = 1000


def _mm_kernel(x_ref, w_ref, o_ref):
    o_ref[...] = jnp.dot(x_ref[...], w_ref[...],
                         preferred_element_type=jnp.float32)


def _mm(x, W):
    return pl.pallas_call(
        _mm_kernel,
        grid=(N // BLK,),
        in_specs=[pl.BlockSpec((BLK, D), lambda i: (i, 0)),
                  pl.BlockSpec((D, D), lambda i: (0, 0))],
        out_specs=pl.BlockSpec((BLK, D), lambda i: (i, 0)),
        out_shape=jax.ShapeDtypeStruct((N, D), jnp.float32),
    )(x, W)


def _mmc_kernel(p_ref, b_ref, w_ref, o_ref):
    h = p_ref[0] + p_ref[1] + b_ref[...]
    h = jnp.maximum(h, 0.0)
    o_ref[...] = jnp.dot(h, w_ref[...], preferred_element_type=jnp.float32)


def _mm_combine(p, b, W):
    return pl.pallas_call(
        _mmc_kernel,
        grid=(N // BLK,),
        in_specs=[pl.BlockSpec((NC, BLK, D), lambda i: (0, i, 0)),
                  pl.BlockSpec((1, D), lambda i: (0, 0)),
                  pl.BlockSpec((D, D), lambda i: (0, 0))],
        out_specs=pl.BlockSpec((BLK, D), lambda i: (i, 0)),
        out_shape=jax.ShapeDtypeStruct((N, D), jnp.float32),
    )(p, b.reshape(1, D), W)


def _final_kernel(p_ref, b_ref, o_ref):
    o_ref[...] = p_ref[0] + p_ref[1] + b_ref[...]


def _final(p, b):
    return pl.pallas_call(
        _final_kernel,
        grid=(N // BLK,),
        in_specs=[pl.BlockSpec((NC, BLK, D), lambda i: (0, i, 0)),
                  pl.BlockSpec((1, D), lambda i: (0, 0))],
        out_specs=pl.BlockSpec((BLK, D), lambda i: (i, 0)),
        out_shape=jax.ShapeDtypeStruct((N, D), jnp.float32),
    )(p, b.reshape(1, D))


def kernel(x, adj_t, W1, b1, W2, b2, W3, b3):
    adj_r = adj_t.reshape(2, NW, NCHUNK, CHUNK)
    src_r = adj_r[0].reshape(NW, EPW)
    dst_r = adj_r[1]
    h1 = _mm(x, W1)
    p1 = _sc_agg(h1, src_r, dst_r)
    h2 = _mm_combine(p1, b1, W2)
    p2 = _sc_agg(h2, src_r, dst_r)
    h3 = _mm_combine(p2, b2, W3)
    p3 = _sc_agg(h3, src_r, dst_r)
    return _final(p3, b3)

# --- scband reference (transcript-rebuilt; emitter-appended) ---
"""Pipeline reference for scband-gcn-78331613544889 (READ-ONLY COPY).

The authoritative reference and input builder live on the scoring server;
editing this copy changes nothing except your own understanding.
"""

import jax, jax.numpy as jnp
import numpy as np

N = 10000
E = 320000
D = 128


def setup_inputs(seed: int = 0) -> dict:
    key = jax.random.key(seed)
    ks = jax.random.split(key, 9)
    x = jax.random.normal(ks[0], (N, D), dtype=jnp.float32)
    adj_t = jax.random.randint(ks[1], (2, E), 0, N, dtype=jnp.int32)
    scale = 1.0 / np.sqrt(D)
    W1 = jax.random.normal(ks[2], (D, D), dtype=jnp.float32) * scale
    b1 = jax.random.normal(ks[3], (D,), dtype=jnp.float32) * 0.01
    W2 = jax.random.normal(ks[4], (D, D), dtype=jnp.float32) * scale
    b2 = jax.random.normal(ks[5], (D,), dtype=jnp.float32) * 0.01
    W3 = jax.random.normal(ks[6], (D, D), dtype=jnp.float32) * scale
    b3 = jax.random.normal(ks[7], (D,), dtype=jnp.float32) * 0.01
    return {"x": x, "adj_t": adj_t, "W1": W1, "b1": b1, "W2": W2, "b2": b2, "W3": W3, "b3": b3}


def reference(x, adj_t, W1, b1, W2, b2, W3, b3):
    # GCN with 3 GCNConv layers (normalize=False): per layer,
    # h = x @ W; out = scatter_add(h[src] -> dst) + bias
    # ReLU between layers (dropout p=0.0 is identity in eval).
    src = adj_t[0]
    dst = adj_t[1]

    def gcn_layer(h, W, b):
        h = h @ W
        msgs = jnp.take(h, src, axis=0)
        agg = jax.ops.segment_sum(msgs, dst, num_segments=N)
        return agg + b

    h = jax.nn.relu(gcn_layer(x, W1, b1))
    h = jax.nn.relu(gcn_layer(h, W2, b2))
    out = gcn_layer(h, W3, b3)
    return out

if __name__ == "__main__":
    import jax
    _d = setup_inputs()
    print(jax.jit(kernel)(*tuple(_d.values())))

</pallas_src>

<mosaic_0001>
#map = affine_map<(d0, d1) -> (0, 0)>
#map1 = affine_map<(d0, d1) -> (0, 0, 0)>
module attributes {stable_mosaic.version = 14 : i64} {
  func.func @_sc_agg_body(%arg0: i32, %arg1: i32, %arg2: memref<10000x128xf32, #tpu.memory_space<hbm>>, %arg3: memref<32x10000xi32, #tpu.memory_space<hbm>>, %arg4: memref<32x125x80xi32, #tpu.memory_space<hbm>>, %arg5: memref<2x10240x128xf32, #tpu.memory_space<hbm>>, %arg6: memref<10240x128xf32, #tpu.memory_space<vmem_shared>>, %arg7: memref<10000xi32, #tpu.memory_space<vmem>>, %arg8: memref<125x80xi32, #tpu.memory_space<vmem>>, %arg9: memref<80x128xf32, #tpu.memory_space<vmem>>, %arg10: memref<80x128xf32, #tpu.memory_space<vmem>>, %arg11: memref<!tpu.dma_semaphore, #tpu.memory_space<semaphore_mem>>, %arg12: memref<!tpu.dma_semaphore, #tpu.memory_space<semaphore_mem>>) attributes {dimension_semantics = [#tpu.dimension_semantics<core_parallel>, #tpu.dimension_semantics<subcore_parallel>], iteration_bounds = array<i64: 2, 16>, scalar_prefetch = 0 : i64, scratch_operands = 7 : i64, tpu.core_type = #tpu.core_type<sc_vector_subcore>, window_params = [{transform_indices = #map}, {transform_indices = #map}, {transform_indices = #map1}, {transform_indices = #map1}]} {
    %mul3A = arith.constant 16 : i32
    %mul3A_0 = arith.muli %arg0, %mul3A : i32
    %add3A = arith.addi %mul3A_0, %arg1 : i32
    "tpu.region"() ({
      %run_scoped3A = tpu.sem_alloc : memref<!tpu.dma_semaphore, #tpu.memory_space<semaphore_mem>>
      %dma_start3A_27 = arith.constant 0 : i32
      %dma_start3A_28 = tpu.memref_slice %arg3[%add3A, %dma_start3A_27] : memref<32x10000xi32, #tpu.memory_space<hbm>> -> memref<1x10000xi32, #tpu.memory_space<hbm>>
      %dma_start3A_29 = tpu.memref_squeeze %dma_start3A_28 : memref<1x10000xi32, #tpu.memory_space<hbm>> -> memref<10000xi32, #tpu.memory_space<hbm>>
      %dma_start3A_30 = arith.constant 0 : i32
      %dma_start3A_31 = tpu.memref_slice %arg3[%add3A, %dma_start3A_30] : memref<32x10000xi32, #tpu.memory_space<hbm>> -> memref<1x10000xi32, #tpu.memory_space<hbm>>
      %dma_start3A_32 = tpu.memref_squeeze %dma_start3A_31 : memref<1x10000xi32, #tpu.memory_space<hbm>> -> memref<10000xi32, #tpu.memory_space<hbm>>
      tpu.enqueue_dma source(%dma_start3A_32 : memref<10000xi32, #tpu.memory_space<hbm>>) target(%arg7 : memref<10000xi32, #tpu.memory_space<vmem>>) target_semaphore(%run_scoped3A : memref<!tpu.dma_semaphore, #tpu.memory_space<semaphore_mem>>)
      %dma_wait3A_33 = arith.constant 0 : i32
      %dma_wait3A_34 = tpu.memref_slice %arg3[%add3A, %dma_wait3A_33] : memref<32x10000xi32, #tpu.memory_space<hbm>> -> memref<1x10000xi32, #tpu.memory_space<hbm>>
      %dma_wait3A_35 = tpu.memref_squeeze %dma_wait3A_34 : memref<1x10000xi32, #tpu.memory_space<hbm>> -> memref<10000xi32, #tpu.memory_space<hbm>>
      %dma_wait3A_36 = arith.constant 0 : i32
      %dma_wait3A_37 = tpu.memref_slice %arg3[%add3A, %dma_wait3A_36] : memref<32x10000xi32, #tpu.memory_space<hbm>> -> memref<1x10000xi32, #tpu.memory_space<hbm>>
      %dma_wait3A_38 = tpu.memref_squeeze %dma_wait3A_37 : memref<1x10000xi32, #tpu.memory_space<hbm>> -> memref<10000xi32, #tpu.memory_space<hbm>>
      tpu.wait_dma2 semaphore(%run_scoped3A : memref<!tpu.dma_semaphore, #tpu.memory_space<semaphore_mem>>) src(%dma_wait3A_38 : memref<10000xi32, #tpu.memory_space<hbm>>) dst(%arg7 : memref<10000xi32, #tpu.memory_space<vmem>>)
      tpu.yield
    }) : () -> ()
    "tpu.region"() ({
      %run_scoped3A = tpu.sem_alloc : memref<!tpu.dma_semaphore, #tpu.memory_space<semaphore_mem>>
      %dma_start3A_27 = arith.constant 0 : i32
      %dma_start3A_28 = arith.constant 0 : i32
      %dma_start3A_29 = tpu.memref_slice %arg4[%add3A, %dma_start3A_27, %dma_start3A_28] : memref<32x125x80xi32, #tpu.memory_space<hbm>> -> memref<1x125x80xi32, #tpu.memory_space<hbm>>
      %dma_start3A_30 = tpu.memref_squeeze %dma_start3A_29 : memref<1x125x80xi32, #tpu.memory_space<hbm>> -> memref<125x80xi32, #tpu.memory_space<hbm>>
      %dma_start3A_31 = arith.constant 0 : i32
      %dma_start3A_32 = arith.constant 0 : i32
      %dma_start3A_33 = tpu.memref_slice %arg4[%add3A, %dma_start3A_31, %dma_start3A_32] : memref<32x125x80xi32, #tpu.memory_space<hbm>> -> memref<1x125x80xi32, #tpu.memory_space<hbm>>
      %dma_start3A_34 = tpu.memref_squeeze %dma_start3A_33 : memref<1x125x80xi32, #tpu.memory_space<hbm>> -> memref<125x80xi32, #tpu.memory_space<hbm>>
      tpu.enqueue_dma source(%dma_start3A_34 : memref<125x80xi32, #tpu.memory_space<hbm>>) target(%arg8 : memref<125x80xi32, #tpu.memory_space<vmem>>) target_semaphore(%run_scoped3A : memref<!tpu.dma_semaphore, #tpu.memory_space<semaphore_mem>>)
      %dma_wait3A_35 = arith.constant 0 : i32
      %dma_wait3A_36 = arith.constant 0 : i32
      %dma_wait3A_37 = tpu.memref_slice %arg4[%add3A, %dma_wait3A_35, %dma_wait3A_36] : memref<32x125x80xi32, #tpu.memory_space<hbm>> -> memref<1x125x80xi32, #tpu.memory_space<hbm>>
      %dma_wait3A_38 = tpu.memref_squeeze %dma_wait3A_37 : memref<1x125x80xi32, #tpu.memory_space<hbm>> -> memref<125x80xi32, #tpu.memory_space<hbm>>
      %dma_wait3A_39 = arith.constant 0 : i32
      %dma_wait3A_40 = arith.constant 0 : i32
      %dma_wait3A_41 = tpu.memref_slice %arg4[%add3A, %dma_wait3A_39, %dma_wait3A_40] : memref<32x125x80xi32, #tpu.memory_space<hbm>> -> memref<1x125x80xi32, #tpu.memory_space<hbm>>
      %dma_wait3A_42 = tpu.memref_squeeze %dma_wait3A_41 : memref<1x125x80xi32, #tpu.memory_space<hbm>> -> memref<125x80xi32, #tpu.memory_space<hbm>>
      tpu.wait_dma2 semaphore(%run_scoped3A : memref<!tpu.dma_semaphore, #tpu.memory_space<semaphore_mem>>) src(%dma_wait3A_42 : memref<125x80xi32, #tpu.memory_space<hbm>>) dst(%arg8 : memref<125x80xi32, #tpu.memory_space<vmem>>)
      tpu.yield
    }) : () -> ()
    %broadcast_in_dim3A = arith.constant 0.000000e+00 : f32
    %broadcast_in_dim3A_1 = vector.broadcast %broadcast_in_dim3A : f32 to vector<16xf32>
    %scan3A = arith.constant 0 : i32
    %scan3A_2 = arith.constant 80 : i32
    %scan3A_3 = arith.addi %scan3A, %scan3A_2 : i32
    %scan3A_4 = arith.constant 1 : i32
    scf.for %scan3A_27 = %scan3A to %scan3A_3 step %scan3A_4  : i32 {
      %mul3A_28 = arith.constant 1 : i32
      %mul3A_29 = arith.muli %scan3A_27, %mul3A_28 : i32
      %add3A_30 = arith.constant 0 : i32
      %add3A_31 = arith.addi %add3A_30, %mul3A_29 : i32
      %scan3A_32 = arith.constant 0 : i32
      %mul3A_33 = arith.constant 16 : i32
      %mul3A_34 = arith.muli %scan3A_32, %mul3A_33 : i32
      %add3A_35 = arith.constant 0 : i32
      %add3A_36 = arith.addi %add3A_35, %mul3A_34 : i32
      %swap3A = arith.index_cast %add3A_31 : i32 to index
      %swap3A_37 = arith.index_cast %add3A_36 : i32 to index
      %swap3A_38 = tpu.vector_load %arg9[%swap3A, %swap3A_37] {strides = array<i32>} : memref<80x128xf32, #tpu.memory_space<vmem>>, vector<1x16xf32>,
      %swap3A_39 = vector.shape_cast %swap3A_38 : vector<1x16xf32> to vector<16xf32>
      %swap3A_40 = vector.shape_cast %broadcast_in_dim3A_1 : vector<16xf32> to vector<1x16xf32>
      tpu.vector_store %arg9[%swap3A, %swap3A_37], %swap3A_40 {strides = array<i32>} : memref<80x128xf32, #tpu.memory_space<vmem>>, vector<1x16xf32>,
      %scan3A_41 = arith.constant 1 : i32
      %mul3A_42 = arith.constant 16 : i32
      %mul3A_43 = arith.muli %scan3A_41, %mul3A_42 : i32
      %add3A_44 = arith.constant 0 : i32
      %add3A_45 = arith.addi %add3A_44, %mul3A_43 : i32
      %swap3A_46 = arith.index_cast %add3A_31 : i32 to index
      %swap3A_47 = arith.index_cast %add3A_45 : i32 to index
      %swap3A_48 = tpu.vector_load %arg9[%swap3A_46, %swap3A_47] {strides = array<i32>} : memref<80x128xf32, #tpu.memory_space<vmem>>, vector<1x16xf32>,
      %swap3A_49 = vector.shape_cast %swap3A_48 : vector<1x16xf32> to vector<16xf32>
      %swap3A_50 = vector.shape_cast %broadcast_in_dim3A_1 : vector<16xf32> to vector<1x16xf32>
      tpu.vector_store %arg9[%swap3A_46, %swap3A_47], %swap3A_50 {strides = array<i32>} : memref<80x128xf32, #tpu.memory_space<vmem>>, vector<1x16xf32>,
      %scan3A_51 = arith.constant 2 : i32
      %mul3A_52 = arith.constant 16 : i32
      %mul3A_53 = arith.muli %scan3A_51, %mul3A_52 : i32
      %add3A_54 = arith.constant 0 : i32
      %add3A_55 = arith.addi %add3A_54, %mul3A_53 : i32
      %swap3A_56 = arith.index_cast %add3A_31 : i32 to index
      %swap3A_57 = arith.index_cast %add3A_55 : i32 to index
      %swap3A_58 = tpu.vector_load %arg9[%swap3A_56, %swap3A_57] {strides = array<i32>} : memref<80x128xf32, #tpu.memory_space<vmem>>, vector<1x16xf32>,
      %swap3A_59 = vector.shape_cast %swap3A_58 : vector<1x16xf32> to vector<16xf32>
      %swap3A_60 = vector.shape_cast %broadcast_in_dim3A_1 : vector<16xf32> to vector<1x16xf32>
      tpu.vector_store %arg9[%swap3A_56, %swap3A_57], %swap3A_60 {strides = array<i32>} : memref<80x128xf32, #tpu.memory_space<vmem>>, vector<1x16xf32>,
      %scan3A_61 = arith.constant 3 : i32
      %mul3A_62 = arith.constant 16 : i32
      %mul3A_63 = arith.muli %scan3A_61, %mul3A_62 : i32
      %add3A_64 = arith.constant 0 : i32
      %add3A_65 = arith.addi %add3A_64, %mul3A_63 : i32
      %swap3A_66 = arith.index_cast %add3A_31 : i32 to index
      %swap3A_67 = arith.index_cast %add3A_65 : i32 to index
      %swap3A_68 = tpu.vector_load %arg9[%swap3A_66, %swap3A_67] {strides = array<i32>} : memref<80x128xf32, #tpu.memory_space<vmem>>, vector<1x16xf32>,
      %swap3A_69 = vector.shape_cast %swap3A_68 : vector<1x16xf32> to vector<16xf32>
      %swap3A_70 = vector.shape_cast %broadcast_in_dim3A_1 : vector<16xf32> to vector<1x16xf32>
      tpu.vector_store %arg9[%swap3A_66, %swap3A_67], %swap3A_70 {strides = array<i32>} : memref<80x128xf32, #tpu.memory_space<vmem>>, vector<1x16xf32>,
      %scan3A_71 = arith.constant 4 : i32
      %mul3A_72 = arith.constant 16 : i32
      %mul3A_73 = arith.muli %scan3A_71, %mul3A_72 : i32
      %add3A_74 = arith.constant 0 : i32
      %add3A_75 = arith.addi %add3A_74, %mul3A_73 : i32
      %swap3A_76 = arith.index_cast %add3A_31 : i32 to index
      %swap3A_77 = arith.index_cast %add3A_75 : i32 to index
      %swap3A_78 = tpu.vector_load %arg9[%swap3A_76, %swap3A_77] {strides = array<i32>} : memref<80x128xf32, #tpu.memory_space<vmem>>, vector<1x16xf32>,
      %swap3A_79 = vector.shape_cast %swap3A_78 : vector<1x16xf32> to vector<16xf32>
      %swap3A_80 = vector.shape_cast %broadcast_in_dim3A_1 : vector<16xf32> to vector<1x16xf32>
      tpu.vector_store %arg9[%swap3A_76, %swap3A_77], %swap3A_80 {strides = array<i32>} : memref<80x128xf32, #tpu.memory_space<vmem>>, vector<1x16xf32>,
      %scan3A_81 = arith.constant 5 : i32
      %mul3A_82 = arith.constant 16 : i32
      %mul3A_83 = arith.muli %scan3A_81, %mul3A_82 : i32
      %add3A_84 = arith.constant 0 : i32
      %add3A_85 = arith.addi %add3A_84, %mul3A_83 : i32
      %swap3A_86 = arith.index_cast %add3A_31 : i32 to index
      %swap3A_87 = arith.index_cast %add3A_85 : i32 to index
      %swap3A_88 = tpu.vector_load %arg9[%swap3A_86, %swap3A_87] {strides = array<i32>} : memref<80x128xf32, #tpu.memory_space<vmem>>, vector<1x16xf32>,
      %swap3A_89 = vector.shape_cast %swap3A_88 : vector<1x16xf32> to vector<16xf32>
      %swap3A_90 = vector.shape_cast %broadcast_in_dim3A_1 : vector<16xf32> to vector<1x16xf32>
      tpu.vector_store %arg9[%swap3A_86, %swap3A_87], %swap3A_90 {strides = array<i32>} : memref<80x128xf32, #tpu.memory_space<vmem>>, vector<1x16xf32>,
      %scan3A_91 = arith.constant 6 : i32
      %mul3A_92 = arith.constant 16 : i32
      %mul3A_93 = arith.muli %scan3A_91, %mul3A_92 : i32
      %add3A_94 = arith.constant 0 : i32
      %add3A_95 = arith.addi %add3A_94, %mul3A_93 : i32
      %swap3A_96 = arith.index_cast %add3A_31 : i32 to index
      %swap3A_97 = arith.index_cast %add3A_95 : i32 to index
      %swap3A_98 = tpu.vector_load %arg9[%swap3A_96, %swap3A_97] {strides = array<i32>} : memref<80x128xf32, #tpu.memory_space<vmem>>, vector<1x16xf32>,
      %swap3A_99 = vector.shape_cast %swap3A_98 : vector<1x16xf32> to vector<16xf32>
      %swap3A_100 = vector.shape_cast %broadcast_in_dim3A_1 : vector<16xf32> to vector<1x16xf32>
      tpu.vector_store %arg9[%swap3A_96, %swap3A_97], %swap3A_100 {strides = array<i32>} : memref<80x128xf32, #tpu.memory_space<vmem>>, vector<1x16xf32>,
      %scan3A_101 = arith.constant 7 : i32
      %mul3A_102 = arith.constant 16 : i32
      %mul3A_103 = arith.muli %scan3A_101, %mul3A_102 : i32
      %add3A_104 = arith.constant 0 : i32
      %add3A_105 = arith.addi %add3A_104, %mul3A_103 : i32
      %swap3A_106 = arith.index_cast %add3A_31 : i32 to index
      %swap3A_107 = arith.index_cast %add3A_105 : i32 to index
      %swap3A_108 = tpu.vector_load %arg9[%swap3A_106, %swap3A_107] {strides = array<i32>} : memref<80x128xf32, #tpu.memory_space<vmem>>, vector<1x16xf32>,
      %swap3A_109 = vector.shape_cast %swap3A_108 : vector<1x16xf32> to vector<16xf32>
      %swap3A_110 = vector.shape_cast %broadcast_in_dim3A_1 : vector<16xf32> to vector<1x16xf32>
      tpu.vector_store %arg9[%swap3A_106, %swap3A_107], %swap3A_110 {strides = array<i32>} : memref<80x128xf32, #tpu.memory_space<vmem>>, vector<1x16xf32>,
      %scan3A_111 = arith.constant 8 : i32
    }
    %scan3A_5 = arith.constant 80 : i32
    %scan3A_6 = arith.constant 0 : i32
    %scan3A_7 = arith.constant 8 : i32
    %scan3A_8 = arith.addi %scan3A_6, %scan3A_7 : i32
    %scan3A_9 = arith.constant 1 : i32
    scf.for %scan3A_27 = %scan3A_6 to %scan3A_8 step %scan3A_9  : i32 {
      %mul3A_28 = arith.constant 1 : i32
      %mul3A_29 = arith.muli %scan3A_27, %mul3A_28 : i32
      %add3A_30 = arith.constant 0 : i32
      %add3A_31 = arith.addi %add3A_30, %mul3A_29 : i32
      %mul3A_32 = arith.constant 640 : i32
      %mul3A_33 = arith.muli %arg1, %mul3A_32 : i32
      %mul3A_34 = arith.constant 80 : i32
      %mul3A_35 = arith.muli %add3A_31, %mul3A_34 : i32
      %add3A_36 = arith.addi %mul3A_33, %mul3A_35 : i32
      %multiple_of3A_37 = tpu.assume_multiple %add3A_36, 80 : i32
      "tpu.region"() ({
        %run_scoped3A = tpu.sem_alloc : memref<!tpu.dma_semaphore, #tpu.memory_space<semaphore_mem>>
        %dma_start3A_38 = arith.constant 0 : i32
        %dma_start3A_39 = tpu.memref_slice %arg6[%multiple_of3A_37, %dma_start3A_38] : memref<10240x128xf32, #tpu.memory_space<vmem_shared>> -> memref<80x128xf32, #tpu.memory_space<vmem_shared>>
        %dma_start3A_40 = arith.constant 0 : i32
        %dma_start3A_41 = tpu.memref_slice %arg6[%multiple_of3A_37, %dma_start3A_40] : memref<10240x128xf32, #tpu.memory_space<vmem_shared>> -> memref<80x128xf32, #tpu.memory_space<vmem_shared>>
        tpu.enqueue_dma source(%arg9 : memref<80x128xf32, #tpu.memory_space<vmem>>) target(%dma_start3A_41 : memref<80x128xf32, #tpu.memory_space<vmem_shared>>) target_semaphore(%run_scoped3A : memref<!tpu.dma_semaphore, #tpu.memory_space<semaphore_mem>>)
        %dma_wait3A_42 = arith.constant 0 : i32
        %dma_wait3A_43 = tpu.memref_slice %arg6[%multiple_of3A_37, %dma_wait3A_42] : memref<10240x128xf32, #tpu.memory_space<vmem_shared>> -> memref<80x128xf32, #tpu.memory_space<vmem_shared>>
        %dma_wait3A_44 = arith.constant 0 : i32
        %dma_wait3A_45 = tpu.memref_slice %arg6[%multiple_of3A_37, %dma_wait3A_44] : memref<10240x128xf32, #tpu.memory_space<vmem_shared>> -> memref<80x128xf32, #tpu.memory_space<vmem_shared>>
        tpu.wait_dma2 semaphore(%run_scoped3A : memref<!tpu.dma_semaphore, #tpu.memory_space<semaphore_mem>>) src(%arg9 : memref<80x128xf32, #tpu.memory_space<vmem>>) dst(%dma_wait3A_45 : memref<80x128xf32, #tpu.memory_space<vmem_shared>>)
        tpu.yield
      }) : () -> ()
    }
    %scan3A_10 = arith.constant 8 : i32
    %barrier3A = arith.constant 0 : index
    tpu.barrier barrier_id(%barrier3A)
    %dma_start3A = arith.constant 0 : i32
    %dma_start3A_11 = tpu.memref_slice %arg7[%dma_start3A] : memref<10000xi32, #tpu.memory_space<vmem>> -> memref<80xi32, #tpu.memory_space<vmem>>
    %dma_start3A_12 = arith.constant 0 : i32
    %dma_start3A_13 = arith.constant 0 : i32
    %dma_start3A_14 = tpu.memref_slice %arg2[%dma_start3A_12, %dma_start3A_13] : memref<10000x128xf32, #tpu.memory_space<hbm>> -> memref<10000x128xf32, #tpu.memory_space<hbm>>
    tpu.enqueue_indirect_dma source(%dma_start3A_14 : memref<10000x128xf32, #tpu.memory_space<hbm>>) target(%arg9 : memref<80x128xf32, #tpu.memory_space<vmem>>) offsets(%dma_start3A_11 : memref<80xi32, #tpu.memory_space<vmem>>) semaphore(%arg11 : memref<!tpu.dma_semaphore, #tpu.memory_space<semaphore_mem>>)
    %scan3A_15 = arith.constant 0 : i32
    %scan3A_16 = arith.constant 62 : i32
    %scan3A_17 = arith.addi %scan3A_15, %scan3A_16 : i32
    %scan3A_18 = arith.constant 1 : i32
    scf.for %scan3A_27 = %scan3A_15 to %scan3A_17 step %scan3A_18  : i32 {
      %mul3A_28 = arith.constant 1 : i32
      %mul3A_29 = arith.muli %scan3A_27, %mul3A_28 : i32
      %add3A_30 = arith.constant 0 : i32
      %add3A_31 = arith.addi %add3A_30, %mul3A_29 : i32
      %mul3A_32 = arith.constant 2 : i32
      %mul3A_33 = arith.muli %mul3A_32, %add3A_31 : i32
      %add3A_34 = arith.constant 1 : i32
      %add3A_35 = arith.addi %mul3A_33, %add3A_34 : i32
      %mul3A_36 = arith.constant 80 : i32
      %mul3A_37 = arith.muli %add3A_35, %mul3A_36 : i32
      %dma_start3A_38 = tpu.memref_slice %arg7[%mul3A_37] : memref<10000xi32, #tpu.memory_space<vmem>> -> memref<80xi32, #tpu.memory_space<vmem>>
      %dma_start3A_39 = arith.constant 0 : i32
      %dma_start3A_40 = arith.constant 0 : i32
      %dma_start3A_41 = tpu.memref_slice %arg2[%dma_start3A_39, %dma_start3A_40] : memref<10000x128xf32, #tpu.memory_space<hbm>> -> memref<10000x128xf32, #tpu.memory_space<hbm>>
      tpu.enqueue_indirect_dma source(%dma_start3A_41 : memref<10000x128xf32, #tpu.memory_space<hbm>>) target(%arg10 : memref<80x128xf32, #tpu.memory_space<vmem>>) offsets(%dma_start3A_38 : memref<80xi32, #tpu.memory_space<vmem>>) semaphore(%arg12 : memref<!tpu.dma_semaphore, #tpu.memory_space<semaphore_mem>>)
      %mul3A_42 = arith.constant 80 : i32
      %mul3A_43 = arith.muli %mul3A_33, %mul3A_42 : i32
      %dma_wait3A_44 = tpu.memref_slice %arg7[%mul3A_43] : memref<10000xi32, #tpu.memory_space<vmem>> -> memref<80xi32, #tpu.memory_space<vmem>>
      %dma_wait3A_45 = arith.constant 0 : i32
      %dma_wait3A_46 = arith.constant 0 : i32
      %dma_wait3A_47 = tpu.memref_slice %arg2[%dma_wait3A_45, %dma_wait3A_46] : memref<10000x128xf32, #tpu.memory_space<hbm>> -> memref<10000x128xf32, #tpu.memory_space<hbm>>
      tpu.wait_indirect_dma semaphore(%arg11 : memref<!tpu.dma_semaphore, #tpu.memory_space<semaphore_mem>>) src(%dma_wait3A_47 : memref<10000x128xf32, #tpu.memory_space<hbm>>) dst(%arg9 : memref<80x128xf32, #tpu.memory_space<vmem>>)
      %add3A_48 = arith.constant 2 : i32
      %add3A_49 = arith.addi %mul3A_33, %add3A_48 : i32
      %mul3A_50 = arith.constant 80 : i32
      %mul3A_51 = arith.muli %add3A_49, %mul3A_50 : i32
      %dma_start3A_52 = tpu.memref_slice %arg7[%mul3A_51] : memref<10000xi32, #tpu.memory_space<vmem>> -> memref<80xi32, #tpu.memory_space<vmem>>
      %dma_start3A_53 = arith.constant 0 : i32
      %dma_start3A_54 = arith.constant 0 : i32
      %dma_start3A_55 = tpu.memref_slice %arg2[%dma_start3A_53, %dma_start3A_54] : memref<10000x128xf32, #tpu.memory_space<hbm>> -> memref<10000x128xf32, #tpu.memory_space<hbm>>
      tpu.enqueue_indirect_dma source(%dma_start3A_55 : memref<10000x128xf32, #tpu.memory_space<hbm>>) target(%arg9 : memref<80x128xf32, #tpu.memory_space<vmem>>) offsets(%dma_start3A_52 : memref<80xi32, #tpu.memory_space<vmem>>) semaphore(%arg11 : memref<!tpu.dma_semaphore, #tpu.memory_space<semaphore_mem>>)
      %add3A_56 = arith.constant 1 : i32
      %add3A_57 = arith.addi %mul3A_33, %add3A_56 : i32
      %mul3A_58 = arith.constant 80 : i32
      %mul3A_59 = arith.muli %add3A_57, %mul3A_58 : i32
      %dma_wait3A_60 = tpu.memref_slice %arg7[%mul3A_59] : memref<10000xi32, #tpu.memory_space<vmem>> -> memref<80xi32, #tpu.memory_space<vmem>>
      %dma_wait3A_61 = arith.constant 0 : i32
      %dma_wait3A_62 = arith.constant 0 : i32
      %dma_wait3A_63 = tpu.memref_slice %arg2[%dma_wait3A_61, %dma_wait3A_62] : memref<10000x128xf32, #tpu.memory_space<hbm>> -> memref<10000x128xf32, #tpu.memory_space<hbm>>
      tpu.wait_indirect_dma semaphore(%arg12 : memref<!tpu.dma_semaphore, #tpu.memory_space<semaphore_mem>>) src(%dma_wait3A_63 : memref<10000x128xf32, #tpu.memory_space<hbm>>) dst(%arg10 : memref<80x128xf32, #tpu.memory_space<vmem>>)
      %add3A_64 = arith.constant 1 : i32
      %add3A_65 = arith.addi %mul3A_33, %add3A_64 : i32
    }
    %scan3A_19 = arith.constant 62 : i32
    %dma_wait3A = arith.constant 9920 : i32
    %dma_wait3A_20 = tpu.memref_slice %arg7[%dma_wait3A] : memref<10000xi32, #tpu.memory_space<vmem>> -> memref<80xi32, #tpu.memory_space<vmem>>
    %dma_wait3A_21 = arith.constant 0 : i32
    %dma_wait3A_22 = arith.constant 0 : i32
    %dma_wait3A_23 = tpu.memref_slice %arg2[%dma_wait3A_21, %dma_wait3A_22] : memref<10000x128xf32, #tpu.memory_space<hbm>> -> memref<10000x128xf32, #tpu.memory_space<hbm>>
    tpu.wait_indirect_dma semaphore(%arg11 : memref<!tpu.dma_semaphore, #tpu.memory_space<semaphore_mem>>) src(%dma_wait3A_23 : memref<10000x128xf32, #tpu.memory_space<hbm>>) dst(%arg9 : memref<80x128xf32, #tpu.memory_space<vmem>>)
    %barrier3A_24 = arith.constant 0 : index
    tpu.barrier barrier_id(%barrier3A_24)
    %mul3A_25 = arith.constant 640 : i32
    %mul3A_26 = arith.muli %arg1, %mul3A_25 : i32
    %multiple_of3A = tpu.assume_multiple %mul3A_26, 640 : i32
    "tpu.region"() ({
      %run_scoped3A = tpu.sem_alloc : memref<!tpu.dma_semaphore, #tpu.memory_space<semaphore_mem>>
      %dma_start3A_27 = arith.constant 0 : i32
      %dma_start3A_28 = tpu.memref_slice %arg5[%arg0, %multiple_of3A, %dma_start3A_27] : memref<2x10240x128xf32, #tpu.memory_space<hbm>> -> memref<1x640x128xf32, #tpu.memory_space<hbm>>
      %dma_start3A_29 = tpu.memref_squeeze %dma_start3A_28 : memref<1x640x128xf32, #tpu.memory_space<hbm>> -> memref<640x128xf32, #tpu.memory_space<hbm>>
      %dma_start3A_30 = arith.constant 0 : i32
      %dma_start3A_31 = tpu.memref_slice %arg6[%multiple_of3A, %dma_start3A_30] : memref<10240x128xf32, #tpu.memory_space<vmem_shared>> -> memref<640x128xf32, #tpu.memory_space<vmem_shared>>
      tpu.enqueue_dma source(%dma_start3A_31 : memref<640x128xf32, #tpu.memory_space<vmem_shared>>) target(%dma_start3A_29 : memref<640x128xf32, #tpu.memory_space<hbm>>) target_semaphore(%run_scoped3A : memref<!tpu.dma_semaphore, #tpu.memory_space<semaphore_mem>>)
      %dma_wait3A_32 = arith.constant 0 : i32
      %dma_wait3A_33 = tpu.memref_slice %arg5[%arg0, %multiple_of3A, %dma_wait3A_32] : memref<2x10240x128xf32, #tpu.memory_space<hbm>> -> memref<1x640x128xf32, #tpu.memory_space<hbm>>
      %dma_wait3A_34 = tpu.memref_squeeze %dma_wait3A_33 : memref<1x640x128xf32, #tpu.memory_space<hbm>> -> memref<640x128xf32, #tpu.memory_space<hbm>>
      %dma_wait3A_35 = arith.constant 0 : i32
      %dma_wait3A_36 = tpu.memref_slice %arg6[%multiple_of3A, %dma_wait3A_35] : memref<10240x128xf32, #tpu.memory_space<vmem_shared>> -> memref<640x128xf32, #tpu.memory_space<vmem_shared>>
      tpu.wait_dma2 semaphore(%run_scoped3A : memref<!tpu.dma_semaphore, #tpu.memory_space<semaphore_mem>>) src(%dma_wait3A_36 : memref<640x128xf32, #tpu.memory_space<vmem_shared>>) dst(%dma_wait3A_34 : memref<640x128xf32, #tpu.memory_space<hbm>>)
      tpu.yield
    }) : () -> ()
    return
  }
}

#map = affine_map<(d0, d1) -> (0, 0)>
#map1 = affine_map<(d0, d1) -> (0, 0, 0)>
module attributes {stable_mosaic.version = 14 : i64} {
  func.func @_sc_agg_body(%arg0: i32, %arg1: i32, %arg2: memref<10000x128xf32, #tpu.memory_space<hbm>>, %arg3: memref<32x10000xi32, #tpu.memory_space<hbm>>, %arg4: memref<32x125x80xi32, #tpu.memory_space<hbm>>, %arg5: memref<2x10240x128xf32, #tpu.memory_space<hbm>>, %arg6: memref<10240x128xf32, #tpu.memory_space<vmem_shared>>, %arg7: memref<10000xi32, #tpu.memory_space<vmem>>, %arg8: memref<125x80xi32, #tpu.memory_space<vmem>>, %arg9: memref<80x128xf32, #tpu.memory_space<vmem>>, %arg10: memref<80x128xf32, #tpu.memory_space<vmem>>, %arg11: memref<!tpu.dma_semaphore, #tpu.memory_space<semaphore_mem>>, %arg12: memref<!tpu.dma_semaphore, #tpu.memory_space<semaphore_mem>>) attributes {dimension_semantics = [#tpu.dimension_semantics<core_parallel>, #tpu.dimension_semantics<subcore_parallel>], iteration_bounds = array<i64: 2, 16>, scalar_prefetch = 0 : i64, scratch_operands = 7 : i64, tpu.core_type = #tpu.core_type<sc_vector_subcore>, window_params = [{transform_indices = #map}, {transform_indices = #map}, {transform_indices = #map1}, {transform_indices = #map1}]} {
    %mul3A = arith.constant 16 : i32
    %mul3A_0 = arith.muli %arg0, %mul3A : i32
    %add3A = arith.addi %mul3A_0, %arg1 : i32
    "tpu.region"() ({
      %run_scoped3A = tpu.sem_alloc : memref<!tpu.dma_semaphore, #tpu.memory_space<semaphore_mem>>
      %dma_start3A_27 = arith.constant 0 : i32
      %dma_start3A_28 = tpu.memref_slice %arg3[%add3A, %dma_start3A_27] : memref<32x10000xi32, #tpu.memory_space<hbm>> -> memref<1x10000xi32, #tpu.memory_space<hbm>>
      %dma_start3A_29 = tpu.memref_squeeze %dma_start3A_28 : memref<1x10000xi32, #tpu.memory_space<hbm>> -> memref<10000xi32, #tpu.memory_space<hbm>>
      %dma_start3A_30 = arith.constant 0 : i32
      %dma_start3A_31 = tpu.memref_slice %arg3[%add3A, %dma_start3A_30] : memref<32x10000xi32, #tpu.memory_space<hbm>> -> memref<1x10000xi32, #tpu.memory_space<hbm>>
      %dma_start3A_32 = tpu.memref_squeeze %dma_start3A_31 : memref<1x10000xi32, #tpu.memory_space<hbm>> -> memref<10000xi32, #tpu.memory_space<hbm>>
      tpu.enqueue_dma source(%dma_start3A_32 : memref<10000xi32, #tpu.memory_space<hbm>>) target(%arg7 : memref<10000xi32, #tpu.memory_space<vmem>>) target_semaphore(%run_scoped3A : memref<!tpu.dma_semaphore, #tpu.memory_space<semaphore_mem>>)
      %dma_wait3A_33 = arith.constant 0 : i32
      %dma_wait3A_34 = tpu.memref_slice %arg3[%add3A, %dma_wait3A_33] : memref<32x10000xi32, #tpu.memory_space<hbm>> -> memref<1x10000xi32, #tpu.memory_space<hbm>>
      %dma_wait3A_35 = tpu.memref_squeeze %dma_wait3A_34 : memref<1x10000xi32, #tpu.memory_space<hbm>> -> memref<10000xi32, #tpu.memory_space<hbm>>
      %dma_wait3A_36 = arith.constant 0 : i32
      %dma_wait3A_37 = tpu.memref_slice %arg3[%add3A, %dma_wait3A_36] : memref<32x10000xi32, #tpu.memory_space<hbm>> -> memref<1x10000xi32, #tpu.memory_space<hbm>>
      %dma_wait3A_38 = tpu.memref_squeeze %dma_wait3A_37 : memref<1x10000xi32, #tpu.memory_space<hbm>> -> memref<10000xi32, #tpu.memory_space<hbm>>
      tpu.wait_dma2 semaphore(%run_scoped3A : memref<!tpu.dma_semaphore, #tpu.memory_space<semaphore_mem>>) src(%dma_wait3A_38 : memref<10000xi32, #tpu.memory_space<hbm>>) dst(%arg7 : memref<10000xi32, #tpu.memory_space<vmem>>)
      tpu.yield
    }) : () -> ()
    "tpu.region"() ({
      %run_scoped3A = tpu.sem_alloc : memref<!tpu.dma_semaphore, #tpu.memory_space<semaphore_mem>>
      %dma_start3A_27 = arith.constant 0 : i32
      %dma_start3A_28 = arith.constant 0 : i32
      %dma_start3A_29 = tpu.memref_slice %arg4[%add3A, %dma_start3A_27, %dma_start3A_28] : memref<32x125x80xi32, #tpu.memory_space<hbm>> -> memref<1x125x80xi32, #tpu.memory_space<hbm>>
      %dma_start3A_30 = tpu.memref_squeeze %dma_start3A_29 : memref<1x125x80xi32, #tpu.memory_space<hbm>> -> memref<125x80xi32, #tpu.memory_space<hbm>>
      %dma_start3A_31 = arith.constant 0 : i32
      %dma_start3A_32 = arith.constant 0 : i32
      %dma_start3A_33 = tpu.memref_slice %arg4[%add3A, %dma_start3A_31, %dma_start3A_32] : memref<32x125x80xi32, #tpu.memory_space<hbm>> -> memref<1x125x80xi32, #tpu.memory_space<hbm>>
      %dma_start3A_34 = tpu.memref_squeeze %dma_start3A_33 : memref<1x125x80xi32, #tpu.memory_space<hbm>> -> memref<125x80xi32, #tpu.memory_space<hbm>>
      tpu.enqueue_dma source(%dma_start3A_34 : memref<125x80xi32, #tpu.memory_space<hbm>>) target(%arg8 : memref<125x80xi32, #tpu.memory_space<vmem>>) target_semaphore(%run_scoped3A : memref<!tpu.dma_semaphore, #tpu.memory_space<semaphore_mem>>)
      %dma_wait3A_35 = arith.constant 0 : i32
      %dma_wait3A_36 = arith.constant 0 : i32
      %dma_wait3A_37 = tpu.memref_slice %arg4[%add3A, %dma_wait3A_35, %dma_wait3A_36] : memref<32x125x80xi32, #tpu.memory_space<hbm>> -> memref<1x125x80xi32, #tpu.memory_space<hbm>>
      %dma_wait3A_38 = tpu.memref_squeeze %dma_wait3A_37 : memref<1x125x80xi32, #tpu.memory_space<hbm>> -> memref<125x80xi32, #tpu.memory_space<hbm>>
      %dma_wait3A_39 = arith.constant 0 : i32
      %dma_wait3A_40 = arith.constant 0 : i32
      %dma_wait3A_41 = tpu.memref_slice %arg4[%add3A, %dma_wait3A_39, %dma_wait3A_40] : memref<32x125x80xi32, #tpu.memory_space<hbm>> -> memref<1x125x80xi32, #tpu.memory_space<hbm>>
      %dma_wait3A_42 = tpu.memref_squeeze %dma_wait3A_41 : memref<1x125x80xi32, #tpu.memory_space<hbm>> -> memref<125x80xi32, #tpu.memory_space<hbm>>
      tpu.wait_dma2 semaphore(%run_scoped3A : memref<!tpu.dma_semaphore, #tpu.memory_space<semaphore_mem>>) src(%dma_wait3A_42 : memref<125x80xi32, #tpu.memory_space<hbm>>) dst(%arg8 : memref<125x80xi32, #tpu.memory_space<vmem>>)
      tpu.yield
    }) : () -> ()
    %broadcast_in_dim3A = arith.constant 0.000000e+00 : f32
    %broadcast_in_dim3A_1 = vector.broadcast %broadcast_in_dim3A : f32 to vector<16xf32>
    %scan3A = arith.constant 0 : i32
    %scan3A_2 = arith.constant 80 : i32
    %scan3A_3 = arith.addi %scan3A, %scan3A_2 : i32
    %scan3A_4 = arith.constant 1 : i32
    scf.for %scan3A_27 = %scan3A to %scan3A_3 step %scan3A_4  : i32 {
      %mul3A_28 = arith.constant 1 : i32
      %mul3A_29 = arith.muli %scan3A_27, %mul3A_28 : i32
      %add3A_30 = arith.constant 0 : i32
      %add3A_31 = arith.addi %add3A_30, %mul3A_29 : i32
      %scan3A_32 = arith.constant 0 : i32
      %mul3A_33 = arith.constant 16 : i32
      %mul3A_34 = arith.muli %scan3A_32, %mul3A_33 : i32
      %add3A_35 = arith.constant 0 : i32
      %add3A_36 = arith.addi %add3A_35, %mul3A_34 : i32
      %swap3A = arith.index_cast %add3A_31 : i32 to index
      %swap3A_37 = arith.index_cast %add3A_36 : i32 to index
      %swap3A_38 = tpu.vector_load %arg9[%swap3A, %swap3A_37] {strides = array<i32>} : memref<80x128xf32, #tpu.memory_space<vmem>>, vector<1x16xf32>,
      %swap3A_39 = vector.shape_cast %swap3A_38 : vector<1x16xf32> to vector<16xf32>
      %swap3A_40 = vector.shape_cast %broadcast_in_dim3A_1 : vector<16xf32> to vector<1x16xf32>
      tpu.vector_store %arg9[%swap3A, %swap3A_37], %swap3A_40 {strides = array<i32>} : memref<80x128xf32, #tpu.memory_space<vmem>>, vector<1x16xf32>,
      %scan3A_41 = arith.constant 1 : i32
      %mul3A_42 = arith.constant 16 : i32
      %mul3A_43 = arith.muli %scan3A_41, %mul3A_42 : i32
      %add3A_44 = arith.constant 0 : i32
      %add3A_45 = arith.addi %add3A_44, %mul3A_43 : i32
      %swap3A_46 = arith.index_cast %add3A_31 : i32 to index
      %swap3A_47 = arith.index_cast %add3A_45 : i32 to index
      %swap3A_48 = tpu.vector_load %arg9[%swap3A_46, %swap3A_47] {strides = array<i32>} : memref<80x128xf32, #tpu.memory_space<vmem>>, vector<1x16xf32>,
      %swap3A_49 = vector.shape_cast %swap3A_48 : vector<1x16xf32> to vector<16xf32>
      %swap3A_50 = vector.shape_cast %broadcast_in_dim3A_1 : vector<16xf32> to vector<1x16xf32>
      tpu.vector_store %arg9[%swap3A_46, %swap3A_47], %swap3A_50 {strides = array<i32>} : memref<80x128xf32, #tpu.memory_space<vmem>>, vector<1x16xf32>,
      %scan3A_51 = arith.constant 2 : i32
      %mul3A_52 = arith.constant 16 : i32
      %mul3A_53 = arith.muli %scan3A_51, %mul3A_52 : i32
      %add3A_54 = arith.constant 0 : i32
      %add3A_55 = arith.addi %add3A_54, %mul3A_53 : i32
      %swap3A_56 = arith.index_cast %add3A_31 : i32 to index
      %swap3A_57 = arith.index_cast %add3A_55 : i32 to index
      %swap3A_58 = tpu.vector_load %arg9[%swap3A_56, %swap3A_57] {strides = array<i32>} : memref<80x128xf32, #tpu.memory_space<vmem>>, vector<1x16xf32>,
      %swap3A_59 = vector.shape_cast %swap3A_58 : vector<1x16xf32> to vector<16xf32>
      %swap3A_60 = vector.shape_cast %broadcast_in_dim3A_1 : vector<16xf32> to vector<1x16xf32>
      tpu.vector_store %arg9[%swap3A_56, %swap3A_57], %swap3A_60 {strides = array<i32>} : memref<80x128xf32, #tpu.memory_space<vmem>>, vector<1x16xf32>,
      %scan3A_61 = arith.constant 3 : i32
      %mul3A_62 = arith.constant 16 : i32
      %mul3A_63 = arith.muli %scan3A_61, %mul3A_62 : i32
      %add3A_64 = arith.constant 0 : i32
      %add3A_65 = arith.addi %add3A_64, %mul3A_63 : i32
      %swap3A_66 = arith.index_cast %add3A_31 : i32 to index
      %swap3A_67 = arith.index_cast %add3A_65 : i32 to index
      %swap3A_68 = tpu.vector_load %arg9[%swap3A_66, %swap3A_67] {strides = array<i32>} : memref<80x128xf32, #tpu.memory_space<vmem>>, vector<1x16xf32>,
      %swap3A_69 = vector.shape_cast %swap3A_68 : vector<1x16xf32> to vector<16xf32>
      %swap3A_70 = vector.shape_cast %broadcast_in_dim3A_1 : vector<16xf32> to vector<1x16xf32>
      tpu.vector_store %arg9[%swap3A_66, %swap3A_67], %swap3A_70 {strides = array<i32>} : memref<80x128xf32, #tpu.memory_space<vmem>>, vector<1x16xf32>,
      %scan3A_71 = arith.constant 4 : i32
      %mul3A_72 = arith.constant 16 : i32
      %mul3A_73 = arith.muli %scan3A_71, %mul3A_72 : i32
      %add3A_74 = arith.constant 0 : i32
      %add3A_75 = arith.addi %add3A_74, %mul3A_73 : i32
      %swap3A_76 = arith.index_cast %add3A_31 : i32 to index
      %swap3A_77 = arith.index_cast %add3A_75 : i32 to index
      %swap3A_78 = tpu.vector_load %arg9[%swap3A_76, %swap3A_77] {strides = array<i32>} : memref<80x128xf32, #tpu.memory_space<vmem>>, vector<1x16xf32>,
      %swap3A_79 = vector.shape_cast %swap3A_78 : vector<1x16xf32> to vector<16xf32>
      %swap3A_80 = vector.shape_cast %broadcast_in_dim3A_1 : vector<16xf32> to vector<1x16xf32>
      tpu.vector_store %arg9[%swap3A_76, %swap3A_77], %swap3A_80 {strides = array<i32>} : memref<80x128xf32, #tpu.memory_space<vmem>>, vector<1x16xf32>,
      %scan3A_81 = arith.constant 5 : i32
      %mul3A_82 = arith.constant 16 : i32
      %mul3A_83 = arith.muli %scan3A_81, %mul3A_82 : i32
      %add3A_84 = arith.constant 0 : i32
      %add3A_85 = arith.addi %add3A_84, %mul3A_83 : i32
      %swap3A_86 = arith.index_cast %add3A_31 : i32 to index
      %swap3A_87 = arith.index_cast %add3A_85 : i32 to index
      %swap3A_88 = tpu.vector_load %arg9[%swap3A_86, %swap3A_87] {strides = array<i32>} : memref<80x128xf32, #tpu.memory_space<vmem>>, vector<1x16xf32>,
      %swap3A_89 = vector.shape_cast %swap3A_88 : vector<1x16xf32> to vector<16xf32>
      %swap3A_90 = vector.shape_cast %broadcast_in_dim3A_1 : vector<16xf32> to vector<1x16xf32>
      tpu.vector_store %arg9[%swap3A_86, %swap3A_87], %swap3A_90 {strides = array<i32>} : memref<80x128xf32, #tpu.memory_space<vmem>>, vector<1x16xf32>,
      %scan3A_91 = arith.constant 6 : i32
      %mul3A_92 = arith.constant 16 : i32
      %mul3A_93 = arith.muli %scan3A_91, %mul3A_92 : i32
      %add3A_94 = arith.constant 0 : i32
      %add3A_95 = arith.addi %add3A_94, %mul3A_93 : i32
      %swap3A_96 = arith.index_cast %add3A_31 : i32 to index
      %swap3A_97 = arith.index_cast %add3A_95 : i32 to index
      %swap3A_98 = tpu.vector_load %arg9[%swap3A_96, %swap3A_97] {strides = array<i32>} : memref<80x128xf32, #tpu.memory_space<vmem>>, vector<1x16xf32>,
      %swap3A_99 = vector.shape_cast %swap3A_98 : vector<1x16xf32> to vector<16xf32>
      %swap3A_100 = vector.shape_cast %broadcast_in_dim3A_1 : vector<16xf32> to vector<1x16xf32>
      tpu.vector_store %arg9[%swap3A_96, %swap3A_97], %swap3A_100 {strides = array<i32>} : memref<80x128xf32, #tpu.memory_space<vmem>>, vector<1x16xf32>,
      %scan3A_101 = arith.constant 7 : i32
      %mul3A_102 = arith.constant 16 : i32
      %mul3A_103 = arith.muli %scan3A_101, %mul3A_102 : i32
      %add3A_104 = arith.constant 0 : i32
      %add3A_105 = arith.addi %add3A_104, %mul3A_103 : i32
      %swap3A_106 = arith.index_cast %add3A_31 : i32 to index
      %swap3A_107 = arith.index_cast %add3A_105 : i32 to index
      %swap3A_108 = tpu.vector_load %arg9[%swap3A_106, %swap3A_107] {strides = array<i32>} : memref<80x128xf32, #tpu.memory_space<vmem>>, vector<1x16xf32>,
      %swap3A_109 = vector.shape_cast %swap3A_108 : vector<1x16xf32> to vector<16xf32>
      %swap3A_110 = vector.shape_cast %broadcast_in_dim3A_1 : vector<16xf32> to vector<1x16xf32>
      tpu.vector_store %arg9[%swap3A_106, %swap3A_107], %swap3A_110 {strides = array<i32>} : memref<80x128xf32, #tpu.memory_space<vmem>>, vector<1x16xf32>,
      %scan3A_111 = arith.constant 8 : i32
    }
    %scan3A_5 = arith.constant 80 : i32
    %scan3A_6 = arith.constant 0 : i32
    %scan3A_7 = arith.constant 8 : i32
    %scan3A_8 = arith.addi %scan3A_6, %scan3A_7 : i32
    %scan3A_9 = arith.constant 1 : i32
    scf.for %scan3A_27 = %scan3A_6 to %scan3A_8 step %scan3A_9  : i32 {
      %mul3A_28 = arith.constant 1 : i32
      %mul3A_29 = arith.muli %scan3A_27, %mul3A_28 : i32
      %add3A_30 = arith.constant 0 : i32
      %add3A_31 = arith.addi %add3A_30, %mul3A_29 : i32
      %mul3A_32 = arith.constant 640 : i32
      %mul3A_33 = arith.muli %arg1, %mul3A_32 : i32
      %mul3A_34 = arith.constant 80 : i32
      %mul3A_35 = arith.muli %add3A_31, %mul3A_34 : i32
      %add3A_36 = arith.addi %mul3A_33, %mul3A_35 : i32
      %multiple_of3A_37 = tpu.assume_multiple %add3A_36, 80 : i32
      "tpu.region"() ({
        %run_scoped3A = tpu.sem_alloc : memref<!tpu.dma_semaphore, #tpu.memory_space<semaphore_mem>>
        %dma_start3A_38 = arith.constant 0 : i32
        %dma_start3A_39 = tpu.memref_slice %arg6[%multiple_of3A_37, %dma_start3A_38] : memref<10240x128xf32, #tpu.memory_space<vmem_shared>> -> memref<80x128xf32, #tpu.memory_space<vmem_shared>>
        %dma_start3A_40 = arith.constant 0 : i32
        %dma_start3A_41 = tpu.memref_slice %arg6[%multiple_of3A_37, %dma_start3A_40] : memref<10240x128xf32, #tpu.memory_space<vmem_shared>> -> memref<80x128xf32, #tpu.memory_space<vmem_shared>>
        tpu.enqueue_dma source(%arg9 : memref<80x128xf32, #tpu.memory_space<vmem>>) target(%dma_start3A_41 : memref<80x128xf32, #tpu.memory_space<vmem_shared>>) target_semaphore(%run_scoped3A : memref<!tpu.dma_semaphore, #tpu.memory_space<semaphore_mem>>)
        %dma_wait3A_42 = arith.constant 0 : i32
        %dma_wait3A_43 = tpu.memref_slice %arg6[%multiple_of3A_37, %dma_wait3A_42] : memref<10240x128xf32, #tpu.memory_space<vmem_shared>> -> memref<80x128xf32, #tpu.memory_space<vmem_shared>>
        %dma_wait3A_44 = arith.constant 0 : i32
        %dma_wait3A_45 = tpu.memref_slice %arg6[%multiple_of3A_37, %dma_wait3A_44] : memref<10240x128xf32, #tpu.memory_space<vmem_shared>> -> memref<80x128xf32, #tpu.memory_space<vmem_shared>>
        tpu.wait_dma2 semaphore(%run_scoped3A : memref<!tpu.dma_semaphore, #tpu.memory_space<semaphore_mem>>) src(%arg9 : memref<80x128xf32, #tpu.memory_space<vmem>>) dst(%dma_wait3A_45 : memref<80x128xf32, #tpu.memory_space<vmem_shared>>)
        tpu.yield
      }) : () -> ()
    }
    %scan3A_10 = arith.constant 8 : i32
    %barrier3A = arith.constant 0 : index
    tpu.barrier barrier_id(%barrier3A)
    %dma_start3A = arith.constant 0 : i32
    %dma_start3A_11 = tpu.memref_slice %arg7[%dma_start3A] : memref<10000xi32, #tpu.memory_space<vmem>> -> memref<80xi32, #tpu.memory_space<vmem>>
    %dma_start3A_12 = arith.constant 0 : i32
    %dma_start3A_13 = arith.constant 0 : i32
    %dma_start3A_14 = tpu.memref_slice %arg2[%dma_start3A_12, %dma_start3A_13] : memref<10000x128xf32, #tpu.memory_space<hbm>> -> memref<10000x128xf32, #tpu.memory_space<hbm>>
    tpu.enqueue_indirect_dma source(%dma_start3A_14 : memref<10000x128xf32, #tpu.memory_space<hbm>>) target(%arg9 : memref<80x128xf32, #tpu.memory_space<vmem>>) offsets(%dma_start3A_11 : memref<80xi32, #tpu.memory_space<vmem>>) semaphore(%arg11 : memref<!tpu.dma_semaphore, #tpu.memory_space<semaphore_mem>>)
    %scan3A_15 = arith.constant 0 : i32
    %scan3A_16 = arith.constant 62 : i32
    %scan3A_17 = arith.addi %scan3A_15, %scan3A_16 : i32
    %scan3A_18 = arith.constant 1 : i32
    scf.for %scan3A_27 = %scan3A_15 to %scan3A_17 step %scan3A_18  : i32 {
      %mul3A_28 = arith.constant 1 : i32
      %mul3A_29 = arith.muli %scan3A_27, %mul3A_28 : i32
      %add3A_30 = arith.constant 0 : i32
      %add3A_31 = arith.addi %add3A_30, %mul3A_29 : i32
      %mul3A_32 = arith.constant 2 : i32
      %mul3A_33 = arith.muli %mul3A_32, %add3A_31 : i32
      %add3A_34 = arith.constant 1 : i32
      %add3A_35 = arith.addi %mul3A_33, %add3A_34 : i32
      %mul3A_36 = arith.constant 80 : i32
      %mul3A_37 = arith.muli %add3A_35, %mul3A_36 : i32
      %dma_start3A_38 = tpu.memref_slice %arg7[%mul3A_37] : memref<10000xi32, #tpu.memory_space<vmem>> -> memref<80xi32, #tpu.memory_space<vmem>>
      %dma_start3A_39 = arith.constant 0 : i32
      %dma_start3A_40 = arith.constant 0 : i32
      %dma_start3A_41 = tpu.memref_slice %arg2[%dma_start3A_39, %dma_start3A_40] : memref<10000x128xf32, #tpu.memory_space<hbm>> -> memref<10000x128xf32, #tpu.memory_space<hbm>>
      tpu.enqueue_indirect_dma source(%dma_start3A_41 : memref<10000x128xf32, #tpu.memory_space<hbm>>) target(%arg10 : memref<80x128xf32, #tpu.memory_space<vmem>>) offsets(%dma_start3A_38 : memref<80xi32, #tpu.memory_space<vmem>>) semaphore(%arg12 : memref<!tpu.dma_semaphore, #tpu.memory_space<semaphore_mem>>)
      %mul3A_42 = arith.constant 80 : i32
      %mul3A_43 = arith.muli %mul3A_33, %mul3A_42 : i32
      %dma_wait3A_44 = tpu.memref_slice %arg7[%mul3A_43] : memref<10000xi32, #tpu.memory_space<vmem>> -> memref<80xi32, #tpu.memory_space<vmem>>
      %dma_wait3A_45 = arith.constant 0 : i32
      %dma_wait3A_46 = arith.constant 0 : i32
      %dma_wait3A_47 = tpu.memref_slice %arg2[%dma_wait3A_45, %dma_wait3A_46] : memref<10000x128xf32, #tpu.memory_space<hbm>> -> memref<10000x128xf32, #tpu.memory_space<hbm>>
      tpu.wait_indirect_dma semaphore(%arg11 : memref<!tpu.dma_semaphore, #tpu.memory_space<semaphore_mem>>) src(%dma_wait3A_47 : memref<10000x128xf32, #tpu.memory_space<hbm>>) dst(%arg9 : memref<80x128xf32, #tpu.memory_space<vmem>>)
      %add3A_48 = arith.constant 2 : i32
      %add3A_49 = arith.addi %mul3A_33, %add3A_48 : i32
      %mul3A_50 = arith.constant 80 : i32
      %mul3A_51 = arith.muli %add3A_49, %mul3A_50 : i32
      %dma_start3A_52 = tpu.memref_slice %arg7[%mul3A_51] : memref<10000xi32, #tpu.memory_space<vmem>> -> memref<80xi32, #tpu.memory_space<vmem>>
      %dma_start3A_53 = arith.constant 0 : i32
      %dma_start3A_54 = arith.constant 0 : i32
      %dma_start3A_55 = tpu.memref_slice %arg2[%dma_start3A_53, %dma_start3A_54] : memref<10000x128xf32, #tpu.memory_space<hbm>> -> memref<10000x128xf32, #tpu.memory_space<hbm>>
      tpu.enqueue_indirect_dma source(%dma_start3A_55 : memref<10000x128xf32, #tpu.memory_space<hbm>>) target(%arg9 : memref<80x128xf32, #tpu.memory_space<vmem>>) offsets(%dma_start3A_52 : memref<80xi32, #tpu.memory_space<vmem>>) semaphore(%arg11 : memref<!tpu.dma_semaphore, #tpu.memory_space<semaphore_mem>>)
      %add3A_56 = arith.constant 1 : i32
      %add3A_57 = arith.addi %mul3A_33, %add3A_56 : i32
      %mul3A_58 = arith.constant 80 : i32
      %mul3A_59 = arith.muli %add3A_57, %mul3A_58 : i32
      %dma_wait3A_60 = tpu.memref_slice %arg7[%mul3A_59] : memref<10000xi32, #tpu.memory_space<vmem>> -> memref<80xi32, #tpu.memory_space<vmem>>
      %dma_wait3A_61 = arith.constant 0 : i32
      %dma_wait3A_62 = arith.constant 0 : i32
      %dma_wait3A_63 = tpu.memref_slice %arg2[%dma_wait3A_61, %dma_wait3A_62] : memref<10000x128xf32, #tpu.memory_space<hbm>> -> memref<10000x128xf32, #tpu.memory_space<hbm>>
      tpu.wait_indirect_dma semaphore(%arg12 : memref<!tpu.dma_semaphore, #tpu.memory_space<semaphore_mem>>) src(%dma_wait3A_63 : memref<10000x128xf32, #tpu.memory_space<hbm>>) dst(%arg10 : memref<80x128xf32, #tpu.memory_space<vmem>>)
      %add3A_64 = arith.constant 1 : i32
      %add3A_65 = arith.addi %mul3A_33, %add3A_64 : i32
    }
    %scan3A_19 = arith.constant 62 : i32
    %dma_wait3A = arith.constant 9920 : i32
    %dma_wait3A_20 = tpu.memref_slice %arg7[%dma_wait3A] : memref<10000xi32, #tpu.memory_space<vmem>> -> memref<80xi32, #tpu.memory_space<vmem>>
    %dma_wait3A_21 = arith.constant 0 : i32
    %dma_wait3A_22 = arith.constant 0 : i32
    %dma_wait3A_23 = tpu.memref_slice %arg2[%dma_wait3A_21, %dma_wait3A_22] : memref<10000x128xf32, #tpu.memory_space<hbm>> -> memref<10000x128xf32, #tpu.memory_space<hbm>>
    tpu.wait_indirect_dma semaphore(%arg11 : memref<!tpu.dma_semaphore, #tpu.memory_space<semaphore_mem>>) src(%dma_wait3A_23 : memref<10000x128xf32, #tpu.memory_space<hbm>>) dst(%arg9 : memref<80x128xf32, #tpu.memory_space<vmem>>)
    %barrier3A_24 = arith.constant 0 : index
    tpu.barrier barrier_id(%barrier3A_24)
    %mul3A_25 = arith.constant 640 : i32
    %mul3A_26 = arith.muli %arg1, %mul3A_25 : i32
    %multiple_of3A = tpu.assume_multiple %mul3A_26, 640 : i32
    "tpu.region"() ({
      %run_scoped3A = tpu.sem_alloc : memref<!tpu.dma_semaphore, #tpu.memory_space<semaphore_mem>>
      %dma_start3A_27 = arith.constant 0 : i32
      %dma_start3A_28 = tpu.memref_slice %arg5[%arg0, %multiple_of3A, %dma_start3A_27] : memref<2x10240x128xf32, #tpu.memory_space<hbm>> -> memref<1x640x128xf32, #tpu.memory_space<hbm>>
      %dma_start3A_29 = tpu.memref_squeeze %dma_start3A_28 : memref<1x640x128xf32, #tpu.memory_space<hbm>> -> memref<640x128xf32, #tpu.memory_space<hbm>>
      %dma_start3A_30 = arith.constant 0 : i32
      %dma_start3A_31 = tpu.memref_slice %arg6[%multiple_of3A, %dma_start3A_30] : memref<10240x128xf32, #tpu.memory_space<vmem_shared>> -> memref<640x128xf32, #tpu.memory_space<vmem_shared>>
      tpu.enqueue_dma source(%dma_start3A_31 : memref<640x128xf32, #tpu.memory_space<vmem_shared>>) target(%dma_start3A_29 : memref<640x128xf32, #tpu.memory_space<hbm>>) target_semaphore(%run_scoped3A : memref<!tpu.dma_semaphore, #tpu.memory_space<semaphore_mem>>)
      %dma_wait3A_32 = arith.constant 0 : i32
      %dma_wait3A_33 = tpu.memref_slice %arg5[%arg0, %multiple_of3A, %dma_wait3A_32] : memref<2x10240x128xf32, #tpu.memory_space<hbm>> -> memref<1x640x128xf32, #tpu.memory_space<hbm>>
      %dma_wait3A_34 = tpu.memref_squeeze %dma_wait3A_33 : memref<1x640x128xf32, #tpu.memory_space<hbm>> -> memref<640x128xf32, #tpu.memory_space<hbm>>
      %dma_wait3A_35 = arith.constant 0 : i32
      %dma_wait3A_36 = tpu.memref_slice %arg6[%multiple_of3A, %dma_wait3A_35] : memref<10240x128xf32, #tpu.memory_space<vmem_shared>> -> memref<640x128xf32, #tpu.memory_space<vmem_shared>>
      tpu.wait_dma2 semaphore(%run_scoped3A : memref<!tpu.dma_semaphore, #tpu.memory_space<semaphore_mem>>) src(%dma_wait3A_36 : memref<640x128xf32, #tpu.memory_space<vmem_shared>>) dst(%dma_wait3A_34 : memref<640x128xf32, #tpu.memory_space<hbm>>)
      tpu.yield
    }) : () -> ()
    return
  }
}

#map = affine_map<(d0, d1) -> (0, 0)>
#map1 = affine_map<(d0, d1) -> (0, 0, 0)>
module attributes {stable_mosaic.version = 14 : i64} {
  func.func @_sc_agg_body(%arg0: i32, %arg1: i32, %arg2: memref<10000x128xf32, #tpu.memory_space<hbm>>, %arg3: memref<32x10000xi32, #tpu.memory_space<hbm>>, %arg4: memref<32x125x80xi32, #tpu.memory_space<hbm>>, %arg5: memref<2x10240x128xf32, #tpu.memory_space<hbm>>, %arg6: memref<10240x128xf32, #tpu.memory_space<vmem_shared>>, %arg7: memref<10000xi32, #tpu.memory_space<vmem>>, %arg8: memref<125x80xi32, #tpu.memory_space<vmem>>, %arg9: memref<80x128xf32, #tpu.memory_space<vmem>>, %arg10: memref<80x128xf32, #tpu.memory_space<vmem>>, %arg11: memref<!tpu.dma_semaphore, #tpu.memory_space<semaphore_mem>>, %arg12: memref<!tpu.dma_semaphore, #tpu.memory_space<semaphore_mem>>) attributes {dimension_semantics = [#tpu.dimension_semantics<core_parallel>, #tpu.dimension_semantics<subcore_parallel>], iteration_bounds = array<i64: 2, 16>, scalar_prefetch = 0 : i64, scratch_operands = 7 : i64, tpu.core_type = #tpu.core_type<sc_vector_subcore>, window_params = [{transform_indices = #map}, {transform_indices = #map}, {transform_indices = #map1}, {transform_indices = #map1}]} {
    %mul3A = arith.constant 16 : i32
    %mul3A_0 = arith.muli %arg0, %mul3A : i32
    %add3A = arith.addi %mul3A_0, %arg1 : i32
    "tpu.region"() ({
      %run_scoped3A = tpu.sem_alloc : memref<!tpu.dma_semaphore, #tpu.memory_space<semaphore_mem>>
      %dma_start3A_27 = arith.constant 0 : i32
      %dma_start3A_28 = tpu.memref_slice %arg3[%add3A, %dma_start3A_27] : memref<32x10000xi32, #tpu.memory_space<hbm>> -> memref<1x10000xi32, #tpu.memory_space<hbm>>
      %dma_start3A_29 = tpu.memref_squeeze %dma_start3A_28 : memref<1x10000xi32, #tpu.memory_space<hbm>> -> memref<10000xi32, #tpu.memory_space<hbm>>
      %dma_start3A_30 = arith.constant 0 : i32
      %dma_start3A_31 = tpu.memref_slice %arg3[%add3A, %dma_start3A_30] : memref<32x10000xi32, #tpu.memory_space<hbm>> -> memref<1x10000xi32, #tpu.memory_space<hbm>>
      %dma_start3A_32 = tpu.memref_squeeze %dma_start3A_31 : memref<1x10000xi32, #tpu.memory_space<hbm>> -> memref<10000xi32, #tpu.memory_space<hbm>>
      tpu.enqueue_dma source(%dma_start3A_32 : memref<10000xi32, #tpu.memory_space<hbm>>) target(%arg7 : memref<10000xi32, #tpu.memory_space<vmem>>) target_semaphore(%run_scoped3A : memref<!tpu.dma_semaphore, #tpu.memory_space<semaphore_mem>>)
      %dma_wait3A_33 = arith.constant 0 : i32
      %dma_wait3A_34 = tpu.memref_slice %arg3[%add3A, %dma_wait3A_33] : memref<32x10000xi32, #tpu.memory_space<hbm>> -> memref<1x10000xi32, #tpu.memory_space<hbm>>
      %dma_wait3A_35 = tpu.memref_squeeze %dma_wait3A_34 : memref<1x10000xi32, #tpu.memory_space<hbm>> -> memref<10000xi32, #tpu.memory_space<hbm>>
      %dma_wait3A_36 = arith.constant 0 : i32
      %dma_wait3A_37 = tpu.memref_slice %arg3[%add3A, %dma_wait3A_36] : memref<32x10000xi32, #tpu.memory_space<hbm>> -> memref<1x10000xi32, #tpu.memory_space<hbm>>
      %dma_wait3A_38 = tpu.memref_squeeze %dma_wait3A_37 : memref<1x10000xi32, #tpu.memory_space<hbm>> -> memref<10000xi32, #tpu.memory_space<hbm>>
      tpu.wait_dma2 semaphore(%run_scoped3A : memref<!tpu.dma_semaphore, #tpu.memory_space<semaphore_mem>>) src(%dma_wait3A_38 : memref<10000xi32, #tpu.memory_space<hbm>>) dst(%arg7 : memref<10000xi32, #tpu.memory_space<vmem>>)
      tpu.yield
    }) : () -> ()
    "tpu.region"() ({
      %run_scoped3A = tpu.sem_alloc : memref<!tpu.dma_semaphore, #tpu.memory_space<semaphore_mem>>
      %dma_start3A_27 = arith.constant 0 : i32
      %dma_start3A_28 = arith.constant 0 : i32
      %dma_start3A_29 = tpu.memref_slice %arg4[%add3A, %dma_start3A_27, %dma_start3A_28] : memref<32x125x80xi32, #tpu.memory_space<hbm>> -> memref<1x125x80xi32, #tpu.memory_space<hbm>>
      %dma_start3A_30 = tpu.memref_squeeze %dma_start3A_29 : memref<1x125x80xi32, #tpu.memory_space<hbm>> -> memref<125x80xi32, #tpu.memory_space<hbm>>
      %dma_start3A_31 = arith.constant 0 : i32
      %dma_start3A_32 = arith.constant 0 : i32
      %dma_start3A_33 = tpu.memref_slice %arg4[%add3A, %dma_start3A_31, %dma_start3A_32] : memref<32x125x80xi32, #tpu.memory_space<hbm>> -> memref<1x125x80xi32, #tpu.memory_space<hbm>>
      %dma_start3A_34 = tpu.memref_squeeze %dma_start3A_33 : memref<1x125x80xi32, #tpu.memory_space<hbm>> -> memref<125x80xi32, #tpu.memory_space<hbm>>
      tpu.enqueue_dma source(%dma_start3A_34 : memref<125x80xi32, #tpu.memory_space<hbm>>) target(%arg8 : memref<125x80xi32, #tpu.memory_space<vmem>>) target_semaphore(%run_scoped3A : memref<!tpu.dma_semaphore, #tpu.memory_space<semaphore_mem>>)
      %dma_wait3A_35 = arith.constant 0 : i32
      %dma_wait3A_36 = arith.constant 0 : i32
      %dma_wait3A_37 = tpu.memref_slice %arg4[%add3A, %dma_wait3A_35, %dma_wait3A_36] : memref<32x125x80xi32, #tpu.memory_space<hbm>> -> memref<1x125x80xi32, #tpu.memory_space<hbm>>
      %dma_wait3A_38 = tpu.memref_squeeze %dma_wait3A_37 : memref<1x125x80xi32, #tpu.memory_space<hbm>> -> memref<125x80xi32, #tpu.memory_space<hbm>>
      %dma_wait3A_39 = arith.constant 0 : i32
      %dma_wait3A_40 = arith.constant 0 : i32
      %dma_wait3A_41 = tpu.memref_slice %arg4[%add3A, %dma_wait3A_39, %dma_wait3A_40] : memref<32x125x80xi32, #tpu.memory_space<hbm>> -> memref<1x125x80xi32, #tpu.memory_space<hbm>>
      %dma_wait3A_42 = tpu.memref_squeeze %dma_wait3A_41 : memref<1x125x80xi32, #tpu.memory_space<hbm>> -> memref<125x80xi32, #tpu.memory_space<hbm>>
      tpu.wait_dma2 semaphore(%run_scoped3A : memref<!tpu.dma_semaphore, #tpu.memory_space<semaphore_mem>>) src(%dma_wait3A_42 : memref<125x80xi32, #tpu.memory_space<hbm>>) dst(%arg8 : memref<125x80xi32, #tpu.memory_space<vmem>>)
      tpu.yield
    }) : () -> ()
    %broadcast_in_dim3A = arith.constant 0.000000e+00 : f32
    %broadcast_in_dim3A_1 = vector.broadcast %broadcast_in_dim3A : f32 to vector<16xf32>
    %scan3A = arith.constant 0 : i32
    %scan3A_2 = arith.constant 80 : i32
    %scan3A_3 = arith.addi %scan3A, %scan3A_2 : i32
    %scan3A_4 = arith.constant 1 : i32
    scf.for %scan3A_27 = %scan3A to %scan3A_3 step %scan3A_4  : i32 {
      %mul3A_28 = arith.constant 1 : i32
      %mul3A_29 = arith.muli %scan3A_27, %mul3A_28 : i32
      %add3A_30 = arith.constant 0 : i32
      %add3A_31 = arith.addi %add3A_30, %mul3A_29 : i32
      %scan3A_32 = arith.constant 0 : i32
      %mul3A_33 = arith.constant 16 : i32
      %mul3A_34 = arith.muli %scan3A_32, %mul3A_33 : i32
      %add3A_35 = arith.constant 0 : i32
      %add3A_36 = arith.addi %add3A_35, %mul3A_34 : i32
      %swap3A = arith.index_cast %add3A_31 : i32 to index
      %swap3A_37 = arith.index_cast %add3A_36 : i32 to index
      %swap3A_38 = tpu.vector_load %arg9[%swap3A, %swap3A_37] {strides = array<i32>} : memref<80x128xf32, #tpu.memory_space<vmem>>, vector<1x16xf32>,
      %swap3A_39 = vector.shape_cast %swap3A_38 : vector<1x16xf32> to vector<16xf32>
      %swap3A_40 = vector.shape_cast %broadcast_in_dim3A_1 : vector<16xf32> to vector<1x16xf32>
      tpu.vector_store %arg9[%swap3A, %swap3A_37], %swap3A_40 {strides = array<i32>} : memref<80x128xf32, #tpu.memory_space<vmem>>, vector<1x16xf32>,
      %scan3A_41 = arith.constant 1 : i32
      %mul3A_42 = arith.constant 16 : i32
      %mul3A_43 = arith.muli %scan3A_41, %mul3A_42 : i32
      %add3A_44 = arith.constant 0 : i32
      %add3A_45 = arith.addi %add3A_44, %mul3A_43 : i32
      %swap3A_46 = arith.index_cast %add3A_31 : i32 to index
      %swap3A_47 = arith.index_cast %add3A_45 : i32 to index
      %swap3A_48 = tpu.vector_load %arg9[%swap3A_46, %swap3A_47] {strides = array<i32>} : memref<80x128xf32, #tpu.memory_space<vmem>>, vector<1x16xf32>,
      %swap3A_49 = vector.shape_cast %swap3A_48 : vector<1x16xf32> to vector<16xf32>
      %swap3A_50 = vector.shape_cast %broadcast_in_dim3A_1 : vector<16xf32> to vector<1x16xf32>
      tpu.vector_store %arg9[%swap3A_46, %swap3A_47], %swap3A_50 {strides = array<i32>} : memref<80x128xf32, #tpu.memory_space<vmem>>, vector<1x16xf32>,
      %scan3A_51 = arith.constant 2 : i32
      %mul3A_52 = arith.constant 16 : i32
      %mul3A_53 = arith.muli %scan3A_51, %mul3A_52 : i32
      %add3A_54 = arith.constant 0 : i32
      %add3A_55 = arith.addi %add3A_54, %mul3A_53 : i32
      %swap3A_56 = arith.index_cast %add3A_31 : i32 to index
      %swap3A_57 = arith.index_cast %add3A_55 : i32 to index
      %swap3A_58 = tpu.vector_load %arg9[%swap3A_56, %swap3A_57] {strides = array<i32>} : memref<80x128xf32, #tpu.memory_space<vmem>>, vector<1x16xf32>,
      %swap3A_59 = vector.shape_cast %swap3A_58 : vector<1x16xf32> to vector<16xf32>
      %swap3A_60 = vector.shape_cast %broadcast_in_dim3A_1 : vector<16xf32> to vector<1x16xf32>
      tpu.vector_store %arg9[%swap3A_56, %swap3A_57], %swap3A_60 {strides = array<i32>} : memref<80x128xf32, #tpu.memory_space<vmem>>, vector<1x16xf32>,
      %scan3A_61 = arith.constant 3 : i32
      %mul3A_62 = arith.constant 16 : i32
      %mul3A_63 = arith.muli %scan3A_61, %mul3A_62 : i32
      %add3A_64 = arith.constant 0 : i32
      %add3A_65 = arith.addi %add3A_64, %mul3A_63 : i32
      %swap3A_66 = arith.index_cast %add3A_31 : i32 to index
      %swap3A_67 = arith.index_cast %add3A_65 : i32 to index
      %swap3A_68 = tpu.vector_load %arg9[%swap3A_66, %swap3A_67] {strides = array<i32>} : memref<80x128xf32, #tpu.memory_space<vmem>>, vector<1x16xf32>,
      %swap3A_69 = vector.shape_cast %swap3A_68 : vector<1x16xf32> to vector<16xf32>
      %swap3A_70 = vector.shape_cast %broadcast_in_dim3A_1 : vector<16xf32> to vector<1x16xf32>
      tpu.vector_store %arg9[%swap3A_66, %swap3A_67], %swap3A_70 {strides = array<i32>} : memref<80x128xf32, #tpu.memory_space<vmem>>, vector<1x16xf32>,
      %scan3A_71 = arith.constant 4 : i32
      %mul3A_72 = arith.constant 16 : i32
      %mul3A_73 = arith.muli %scan3A_71, %mul3A_72 : i32
      %add3A_74 = arith.constant 0 : i32
      %add3A_75 = arith.addi %add3A_74, %mul3A_73 : i32
      %swap3A_76 = arith.index_cast %add3A_31 : i32 to index
      %swap3A_77 = arith.index_cast %add3A_75 : i32 to index
      %swap3A_78 = tpu.vector_load %arg9[%swap3A_76, %swap3A_77] {strides = array<i32>} : memref<80x128xf32, #tpu.memory_space<vmem>>, vector<1x16xf32>,
      %swap3A_79 = vector.shape_cast %swap3A_78 : vector<1x16xf32> to vector<16xf32>
      %swap3A_80 = vector.shape_cast %broadcast_in_dim3A_1 : vector<16xf32> to vector<1x16xf32>
      tpu.vector_store %arg9[%swap3A_76, %swap3A_77], %swap3A_80 {strides = array<i32>} : memref<80x128xf32, #tpu.memory_space<vmem>>, vector<1x16xf32>,
      %scan3A_81 = arith.constant 5 : i32
      %mul3A_82 = arith.constant 16 : i32
      %mul3A_83 = arith.muli %scan3A_81, %mul3A_82 : i32
      %add3A_84 = arith.constant 0 : i32
      %add3A_85 = arith.addi %add3A_84, %mul3A_83 : i32
      %swap3A_86 = arith.index_cast %add3A_31 : i32 to index
      %swap3A_87 = arith.index_cast %add3A_85 : i32 to index
      %swap3A_88 = tpu.vector_load %arg9[%swap3A_86, %swap3A_87] {strides = array<i32>} : memref<80x128xf32, #tpu.memory_space<vmem>>, vector<1x16xf32>,
      %swap3A_89 = vector.shape_cast %swap3A_88 : vector<1x16xf32> to vector<16xf32>
      %swap3A_90 = vector.shape_cast %broadcast_in_dim3A_1 : vector<16xf32> to vector<1x16xf32>
      tpu.vector_store %arg9[%swap3A_86, %swap3A_87], %swap3A_90 {strides = array<i32>} : memref<80x128xf32, #tpu.memory_space<vmem>>, vector<1x16xf32>,
      %scan3A_91 = arith.constant 6 : i32
      %mul3A_92 = arith.constant 16 : i32
      %mul3A_93 = arith.muli %scan3A_91, %mul3A_92 : i32
      %add3A_94 = arith.constant 0 : i32
      %add3A_95 = arith.addi %add3A_94, %mul3A_93 : i32
      %swap3A_96 = arith.index_cast %add3A_31 : i32 to index
      %swap3A_97 = arith.index_cast %add3A_95 : i32 to index
      %swap3A_98 = tpu.vector_load %arg9[%swap3A_96, %swap3A_97] {strides = array<i32>} : memref<80x128xf32, #tpu.memory_space<vmem>>, vector<1x16xf32>,
      %swap3A_99 = vector.shape_cast %swap3A_98 : vector<1x16xf32> to vector<16xf32>
      %swap3A_100 = vector.shape_cast %broadcast_in_dim3A_1 : vector<16xf32> to vector<1x16xf32>
      tpu.vector_store %arg9[%swap3A_96, %swap3A_97], %swap3A_100 {strides = array<i32>} : memref<80x128xf32, #tpu.memory_space<vmem>>, vector<1x16xf32>,
      %scan3A_101 = arith.constant 7 : i32
      %mul3A_102 = arith.constant 16 : i32
      %mul3A_103 = arith.muli %scan3A_101, %mul3A_102 : i32
      %add3A_104 = arith.constant 0 : i32
      %add3A_105 = arith.addi %add3A_104, %mul3A_103 : i32
      %swap3A_106 = arith.index_cast %add3A_31 : i32 to index
      %swap3A_107 = arith.index_cast %add3A_105 : i32 to index
      %swap3A_108 = tpu.vector_load %arg9[%swap3A_106, %swap3A_107] {strides = array<i32>} : memref<80x128xf32, #tpu.memory_space<vmem>>, vector<1x16xf32>,
      %swap3A_109 = vector.shape_cast %swap3A_108 : vector<1x16xf32> to vector<16xf32>
      %swap3A_110 = vector.shape_cast %broadcast_in_dim3A_1 : vector<16xf32> to vector<1x16xf32>
      tpu.vector_store %arg9[%swap3A_106, %swap3A_107], %swap3A_110 {strides = array<i32>} : memref<80x128xf32, #tpu.memory_space<vmem>>, vector<1x16xf32>,
      %scan3A_111 = arith.constant 8 : i32
    }
    %scan3A_5 = arith.constant 80 : i32
    %scan3A_6 = arith.constant 0 : i32
    %scan3A_7 = arith.constant 8 : i32
    %scan3A_8 = arith.addi %scan3A_6, %scan3A_7 : i32
    %scan3A_9 = arith.constant 1 : i32
    scf.for %scan3A_27 = %scan3A_6 to %scan3A_8 step %scan3A_9  : i32 {
      %mul3A_28 = arith.constant 1 : i32
      %mul3A_29 = arith.muli %scan3A_27, %mul3A_28 : i32
      %add3A_30 = arith.constant 0 : i32
      %add3A_31 = arith.addi %add3A_30, %mul3A_29 : i32
      %mul3A_32 = arith.constant 640 : i32
      %mul3A_33 = arith.muli %arg1, %mul3A_32 : i32
      %mul3A_34 = arith.constant 80 : i32
      %mul3A_35 = arith.muli %add3A_31, %mul3A_34 : i32
      %add3A_36 = arith.addi %mul3A_33, %mul3A_35 : i32
      %multiple_of3A_37 = tpu.assume_multiple %add3A_36, 80 : i32
      "tpu.region"() ({
        %run_scoped3A = tpu.sem_alloc : memref<!tpu.dma_semaphore, #tpu.memory_space<semaphore_mem>>
        %dma_start3A_38 = arith.constant 0 : i32
        %dma_start3A_39 = tpu.memref_slice %arg6[%multiple_of3A_37, %dma_start3A_38] : memref<10240x128xf32, #tpu.memory_space<vmem_shared>> -> memref<80x128xf32, #tpu.memory_space<vmem_shared>>
        %dma_start3A_40 = arith.constant 0 : i32
        %dma_start3A_41 = tpu.memref_slice %arg6[%multiple_of3A_37, %dma_start3A_40] : memref<10240x128xf32, #tpu.memory_space<vmem_shared>> -> memref<80x128xf32, #tpu.memory_space<vmem_shared>>
        tpu.enqueue_dma source(%arg9 : memref<80x128xf32, #tpu.memory_space<vmem>>) target(%dma_start3A_41 : memref<80x128xf32, #tpu.memory_space<vmem_shared>>) target_semaphore(%run_scoped3A : memref<!tpu.dma_semaphore, #tpu.memory_space<semaphore_mem>>)
        %dma_wait3A_42 = arith.constant 0 : i32
        %dma_wait3A_43 = tpu.memref_slice %arg6[%multiple_of3A_37, %dma_wait3A_42] : memref<10240x128xf32, #tpu.memory_space<vmem_shared>> -> memref<80x128xf32, #tpu.memory_space<vmem_shared>>
        %dma_wait3A_44 = arith.constant 0 : i32
        %dma_wait3A_45 = tpu.memref_slice %arg6[%multiple_of3A_37, %dma_wait3A_44] : memref<10240x128xf32, #tpu.memory_space<vmem_shared>> -> memref<80x128xf32, #tpu.memory_space<vmem_shared>>
        tpu.wait_dma2 semaphore(%run_scoped3A : memref<!tpu.dma_semaphore, #tpu.memory_space<semaphore_mem>>) src(%arg9 : memref<80x128xf32, #tpu.memory_space<vmem>>) dst(%dma_wait3A_45 : memref<80x128xf32, #tpu.memory_space<vmem_shared>>)
        tpu.yield
      }) : () -> ()
    }
    %scan3A_10 = arith.constant 8 : i32
    %barrier3A = arith.constant 0 : index
    tpu.barrier barrier_id(%barrier3A)
    %dma_start3A = arith.constant 0 : i32
    %dma_start3A_11 = tpu.memref_slice %arg7[%dma_start3A] : memref<10000xi32, #tpu.memory_space<vmem>> -> memref<80xi32, #tpu.memory_space<vmem>>
    %dma_start3A_12 = arith.constant 0 : i32
    %dma_start3A_13 = arith.constant 0 : i32
    %dma_start3A_14 = tpu.memref_slice %arg2[%dma_start3A_12, %dma_start3A_13] : memref<10000x128xf32, #tpu.memory_space<hbm>> -> memref<10000x128xf32, #tpu.memory_space<hbm>>
    tpu.enqueue_indirect_dma source(%dma_start3A_14 : memref<10000x128xf32, #tpu.memory_space<hbm>>) target(%arg9 : memref<80x128xf32, #tpu.memory_space<vmem>>) offsets(%dma_start3A_11 : memref<80xi32, #tpu.memory_space<vmem>>) semaphore(%arg11 : memref<!tpu.dma_semaphore, #tpu.memory_space<semaphore_mem>>)
    %scan3A_15 = arith.constant 0 : i32
    %scan3A_16 = arith.constant 62 : i32
    %scan3A_17 = arith.addi %scan3A_15, %scan3A_16 : i32
    %scan3A_18 = arith.constant 1 : i32
    scf.for %scan3A_27 = %scan3A_15 to %scan3A_17 step %scan3A_18  : i32 {
      %mul3A_28 = arith.constant 1 : i32
      %mul3A_29 = arith.muli %scan3A_27, %mul3A_28 : i32
      %add3A_30 = arith.constant 0 : i32
      %add3A_31 = arith.addi %add3A_30, %mul3A_29 : i32
      %mul3A_32 = arith.constant 2 : i32
      %mul3A_33 = arith.muli %mul3A_32, %add3A_31 : i32
      %add3A_34 = arith.constant 1 : i32
      %add3A_35 = arith.addi %mul3A_33, %add3A_34 : i32
      %mul3A_36 = arith.constant 80 : i32
      %mul3A_37 = arith.muli %add3A_35, %mul3A_36 : i32
      %dma_start3A_38 = tpu.memref_slice %arg7[%mul3A_37] : memref<10000xi32, #tpu.memory_space<vmem>> -> memref<80xi32, #tpu.memory_space<vmem>>
      %dma_start3A_39 = arith.constant 0 : i32
      %dma_start3A_40 = arith.constant 0 : i32
      %dma_start3A_41 = tpu.memref_slice %arg2[%dma_start3A_39, %dma_start3A_40] : memref<10000x128xf32, #tpu.memory_space<hbm>> -> memref<10000x128xf32, #tpu.memory_space<hbm>>
      tpu.enqueue_indirect_dma source(%dma_start3A_41 : memref<10000x128xf32, #tpu.memory_space<hbm>>) target(%arg10 : memref<80x128xf32, #tpu.memory_space<vmem>>) offsets(%dma_start3A_38 : memref<80xi32, #tpu.memory_space<vmem>>) semaphore(%arg12 : memref<!tpu.dma_semaphore, #tpu.memory_space<semaphore_mem>>)
      %mul3A_42 = arith.constant 80 : i32
      %mul3A_43 = arith.muli %mul3A_33, %mul3A_42 : i32
      %dma_wait3A_44 = tpu.memref_slice %arg7[%mul3A_43] : memref<10000xi32, #tpu.memory_space<vmem>> -> memref<80xi32, #tpu.memory_space<vmem>>
      %dma_wait3A_45 = arith.constant 0 : i32
      %dma_wait3A_46 = arith.constant 0 : i32
      %dma_wait3A_47 = tpu.memref_slice %arg2[%dma_wait3A_45, %dma_wait3A_46] : memref<10000x128xf32, #tpu.memory_space<hbm>> -> memref<10000x128xf32, #tpu.memory_space<hbm>>
      tpu.wait_indirect_dma semaphore(%arg11 : memref<!tpu.dma_semaphore, #tpu.memory_space<semaphore_mem>>) src(%dma_wait3A_47 : memref<10000x128xf32, #tpu.memory_space<hbm>>) dst(%arg9 : memref<80x128xf32, #tpu.memory_space<vmem>>)
      %add3A_48 = arith.constant 2 : i32
      %add3A_49 = arith.addi %mul3A_33, %add3A_48 : i32
      %mul3A_50 = arith.constant 80 : i32
      %mul3A_51 = arith.muli %add3A_49, %mul3A_50 : i32
      %dma_start3A_52 = tpu.memref_slice %arg7[%mul3A_51] : memref<10000xi32, #tpu.memory_space<vmem>> -> memref<80xi32, #tpu.memory_space<vmem>>
      %dma_start3A_53 = arith.constant 0 : i32
      %dma_start3A_54 = arith.constant 0 : i32
      %dma_start3A_55 = tpu.memref_slice %arg2[%dma_start3A_53, %dma_start3A_54] : memref<10000x128xf32, #tpu.memory_space<hbm>> -> memref<10000x128xf32, #tpu.memory_space<hbm>>
      tpu.enqueue_indirect_dma source(%dma_start3A_55 : memref<10000x128xf32, #tpu.memory_space<hbm>>) target(%arg9 : memref<80x128xf32, #tpu.memory_space<vmem>>) offsets(%dma_start3A_52 : memref<80xi32, #tpu.memory_space<vmem>>) semaphore(%arg11 : memref<!tpu.dma_semaphore, #tpu.memory_space<semaphore_mem>>)
      %add3A_56 = arith.constant 1 : i32
      %add3A_57 = arith.addi %mul3A_33, %add3A_56 : i32
      %mul3A_58 = arith.constant 80 : i32
      %mul3A_59 = arith.muli %add3A_57, %mul3A_58 : i32
      %dma_wait3A_60 = tpu.memref_slice %arg7[%mul3A_59] : memref<10000xi32, #tpu.memory_space<vmem>> -> memref<80xi32, #tpu.memory_space<vmem>>
      %dma_wait3A_61 = arith.constant 0 : i32
      %dma_wait3A_62 = arith.constant 0 : i32
      %dma_wait3A_63 = tpu.memref_slice %arg2[%dma_wait3A_61, %dma_wait3A_62] : memref<10000x128xf32, #tpu.memory_space<hbm>> -> memref<10000x128xf32, #tpu.memory_space<hbm>>
      tpu.wait_indirect_dma semaphore(%arg12 : memref<!tpu.dma_semaphore, #tpu.memory_space<semaphore_mem>>) src(%dma_wait3A_63 : memref<10000x128xf32, #tpu.memory_space<hbm>>) dst(%arg10 : memref<80x128xf32, #tpu.memory_space<vmem>>)
      %add3A_64 = arith.constant 1 : i32
      %add3A_65 = arith.addi %mul3A_33, %add3A_64 : i32
    }
    %scan3A_19 = arith.constant 62 : i32
    %dma_wait3A = arith.constant 9920 : i32
    %dma_wait3A_20 = tpu.memref_slice %arg7[%dma_wait3A] : memref<10000xi32, #tpu.memory_space<vmem>> -> memref<80xi32, #tpu.memory_space<vmem>>
    %dma_wait3A_21 = arith.constant 0 : i32
    %dma_wait3A_22 = arith.constant 0 : i32
    %dma_wait3A_23 = tpu.memref_slice %arg2[%dma_wait3A_21, %dma_wait3A_22] : memref<10000x128xf32, #tpu.memory_space<hbm>> -> memref<10000x128xf32, #tpu.memory_space<hbm>>
    tpu.wait_indirect_dma semaphore(%arg11 : memref<!tpu.dma_semaphore, #tpu.memory_space<semaphore_mem>>) src(%dma_wait3A_23 : memref<10000x128xf32, #tpu.memory_space<hbm>>) dst(%arg9 : memref<80x128xf32, #tpu.memory_space<vmem>>)
    %barrier3A_24 = arith.constant 0 : index
    tpu.barrier barrier_id(%barrier3A_24)
    %mul3A_25 = arith.constant 640 : i32
    %mul3A_26 = arith.muli %arg1, %mul3A_25 : i32
    %multiple_of3A = tpu.assume_multiple %mul3A_26, 640 : i32
    "tpu.region"() ({
      %run_scoped3A = tpu.sem_alloc : memref<!tpu.dma_semaphore, #tpu.memory_space<semaphore_mem>>
      %dma_start3A_27 = arith.constant 0 : i32
      %dma_start3A_28 = tpu.memref_slice %arg5[%arg0, %multiple_of3A, %dma_start3A_27] : memref<2x10240x128xf32, #tpu.memory_space<hbm>> -> memref<1x640x128xf32, #tpu.memory_space<hbm>>
      %dma_start3A_29 = tpu.memref_squeeze %dma_start3A_28 : memref<1x640x128xf32, #tpu.memory_space<hbm>> -> memref<640x128xf32, #tpu.memory_space<hbm>>
      %dma_start3A_30 = arith.constant 0 : i32
      %dma_start3A_31 = tpu.memref_slice %arg6[%multiple_of3A, %dma_start3A_30] : memref<10240x128xf32, #tpu.memory_space<vmem_shared>> -> memref<640x128xf32, #tpu.memory_space<vmem_shared>>
      tpu.enqueue_dma source(%dma_start3A_31 : memref<640x128xf32, #tpu.memory_space<vmem_shared>>) target(%dma_start3A_29 : memref<640x128xf32, #tpu.memory_space<hbm>>) target_semaphore(%run_scoped3A : memref<!tpu.dma_semaphore, #tpu.memory_space<semaphore_mem>>)
      %dma_wait3A_32 = arith.constant 0 : i32
      %dma_wait3A_33 = tpu.memref_slice %arg5[%arg0, %multiple_of3A, %dma_wait3A_32] : memref<2x10240x128xf32, #tpu.memory_space<hbm>> -> memref<1x640x128xf32, #tpu.memory_space<hbm>>
      %dma_wait3A_34 = tpu.memref_squeeze %dma_wait3A_33 : memref<1x640x128xf32, #tpu.memory_space<hbm>> -> memref<640x128xf32, #tpu.memory_space<hbm>>
      %dma_wait3A_35 = arith.constant 0 : i32
      %dma_wait3A_36 = tpu.memref_slice %arg6[%multiple_of3A, %dma_wait3A_35] : memref<10240x128xf32, #tpu.memory_space<vmem_shared>> -> memref<640x128xf32, #tpu.memory_space<vmem_shared>>
      tpu.wait_dma2 semaphore(%run_scoped3A : memref<!tpu.dma_semaphore, #tpu.memory_space<semaphore_mem>>) src(%dma_wait3A_36 : memref<640x128xf32, #tpu.memory_space<vmem_shared>>) dst(%dma_wait3A_34 : memref<640x128xf32, #tpu.memory_space<hbm>>)
      tpu.yield
    }) : () -> ()
    return
  }
}

module attributes {stable_mosaic.version = 14 : i64} {
  func.func @_mm_kernel(%arg0: i32, %arg1: memref<1000x128xf32, #tpu.memory_space<vmem>>, %arg2: memref<128x128xf32, #tpu.memory_space<vmem>>, %arg3: memref<1000x128xf32, #tpu.memory_space<vmem>>) attributes {dimension_semantics = [#tpu.dimension_semantics<arbitrary>], iteration_bounds = array<i64: 10>, scalar_prefetch = 0 : i64, scratch_operands = 0 : i64, tpu.core_type = #tpu.core_type<tc>, window_params = [{transform_indices = @transform_0, window_bounds = array<i64: 1000, 128>}, {pipeline_mode = #tpu.pipeline_mode<synchronous>, transform_indices = @transform_1, window_bounds = array<i64: 128, 128>}, {transform_indices = @transform_2, window_bounds = array<i64: 1000, 128>}]} {
    %get3A = arith.constant 0 : index
    %get3A_0 = arith.constant 0 : index
    %get3A_1 = vector.load %arg1[%get3A, %get3A_0] : memref<1000x128xf32, #tpu.memory_space<vmem>>, vector<1000x128xf32>
    %get3A_2 = arith.constant 0 : index
    %get3A_3 = arith.constant 0 : index
    %get3A_4 = vector.load %arg2[%get3A_2, %get3A_3] : memref<128x128xf32, #tpu.memory_space<vmem>>, vector<128x128xf32>
    %dot_general3A = arith.constant dense<0.000000e+00> : vector<1000x128xf32>
    %dot_general3A_5 = tpu.matmul %get3A_1, %get3A_4, %dot_general3A {dimension_numbers = #tpu.dot_dimension_numbers<[1], [0], [0], [1], [0, 0, 1, 1], [], []>, transpose_lhs_hint = false} : vector<1000x128xf32>, vector<128x128xf32>, vector<1000x128xf32> -> vector<1000x128xf32>
    %swap3A = arith.constant 0 : index
    %swap3A_6 = arith.constant 0 : index
    %swap3A_7 = vector.load %arg3[%swap3A, %swap3A_6] : memref<1000x128xf32, #tpu.memory_space<vmem>>, vector<1000x128xf32>
    tpu.vector_store %arg3[%swap3A, %swap3A_6], %dot_general3A_5 {strides = array<i32>} : memref<1000x128xf32, #tpu.memory_space<vmem>>, vector<1000x128xf32>,
    return
  }
  func.func @transform_0(%arg0: i32) -> (i32, i32) {
    %c0_i32 = arith.constant 0 : i32
    %c0_i32_0 = arith.constant 0 : i32
    return %arg0, %c0_i32 : i32, i32
  }
  func.func @transform_1(%arg0: i32) -> (i32, i32) {
    %c0_i32 = arith.constant 0 : i32
    %c0_i32_0 = arith.constant 0 : i32
    %c0_i32_1 = arith.constant 0 : i32
    return %c0_i32, %c0_i32_0 : i32, i32
  }
  func.func @transform_2(%arg0: i32) -> (i32, i32) {
    %c0_i32 = arith.constant 0 : i32
    %c0_i32_0 = arith.constant 0 : i32
    return %arg0, %c0_i32 : i32, i32
  }
}

module attributes {stable_mosaic.version = 14 : i64} {
  func.func @_mmc_kernel(%arg0: i32, %arg1: memref<2x1000x128xf32, #tpu.memory_space<vmem>>, %arg2: memref<1x128xf32, #tpu.memory_space<vmem>>, %arg3: memref<128x128xf32, #tpu.memory_space<vmem>>, %arg4: memref<1000x128xf32, #tpu.memory_space<vmem>>) attributes {dimension_semantics = [#tpu.dimension_semantics<arbitrary>], iteration_bounds = array<i64: 10>, scalar_prefetch = 0 : i64, scratch_operands = 0 : i64, tpu.core_type = #tpu.core_type<tc>, window_params = [{transform_indices = @transform_0, window_bounds = array<i64: 2, 1000, 128>}, {pipeline_mode = #tpu.pipeline_mode<synchronous>, transform_indices = @transform_1, window_bounds = array<i64: 1, 128>}, {pipeline_mode = #tpu.pipeline_mode<synchronous>, transform_indices = @transform_2, window_bounds = array<i64: 128, 128>}, {transform_indices = @transform_3, window_bounds = array<i64: 1000, 128>}]} {
    %get3A = arith.constant 0 : index
    %get3A_0 = arith.constant 0 : index
    %get3A_1 = arith.constant 0 : index
    %get3A_2 = vector.load %arg1[%get3A, %get3A_0, %get3A_1] : memref<2x1000x128xf32, #tpu.memory_space<vmem>>, vector<1x1000x128xf32>
    %get3A_3 = vector.shape_cast %get3A_2 : vector<1x1000x128xf32> to vector<1000x128xf32>
    %get3A_4 = arith.constant 1 : index
    %get3A_5 = arith.constant 0 : index
    %get3A_6 = arith.constant 0 : index
    %get3A_7 = vector.load %arg1[%get3A_4, %get3A_5, %get3A_6] : memref<2x1000x128xf32, #tpu.memory_space<vmem>>, vector<1x1000x128xf32>
    %get3A_8 = vector.shape_cast %get3A_7 : vector<1x1000x128xf32> to vector<1000x128xf32>
    %add3A = arith.addf %get3A_3, %get3A_8 : vector<1000x128xf32>
    %get3A_9 = arith.constant 0 : index
    %get3A_10 = arith.constant 0 : index
    %get3A_11 = vector.load %arg2[%get3A_9, %get3A_10] : memref<1x128xf32, #tpu.memory_space<vmem>>, vector<1x128xf32>
    %add3A_12 = vector.broadcast %get3A_11 : vector<1x128xf32> to vector<1000x128xf32>
    %add3A_13 = arith.addf %add3A, %add3A_12 : vector<1000x128xf32>
    %max3A = arith.constant 0.000000e+00 : f32
    %max3A_14 = vector.broadcast %max3A : f32 to vector<1000x128xf32>
    %max3A_15 = arith.maximumf %add3A_13, %max3A_14 : vector<1000x128xf32>
    %get3A_16 = arith.constant 0 : index
    %get3A_17 = arith.constant 0 : index
    %get3A_18 = vector.load %arg3[%get3A_16, %get3A_17] : memref<128x128xf32, #tpu.memory_space<vmem>>, vector<128x128xf32>
    %dot_general3A = arith.constant dense<0.000000e+00> : vector<1000x128xf32>
    %dot_general3A_19 = tpu.matmul %max3A_15, %get3A_18, %dot_general3A {dimension_numbers = #tpu.dot_dimension_numbers<[1], [0], [0], [1], [0, 0, 1, 1], [], []>, transpose_lhs_hint = false} : vector<1000x128xf32>, vector<128x128xf32>, vector<1000x128xf32> -> vector<1000x128xf32>
    %swap3A = arith.constant 0 : index
    %swap3A_20 = arith.constant 0 : index
    %swap3A_21 = vector.load %arg4[%swap3A, %swap3A_20] : memref<1000x128xf32, #tpu.memory_space<vmem>>, vector<1000x128xf32>
    tpu.vector_store %arg4[%swap3A, %swap3A_20], %dot_general3A_19 {strides = array<i32>} : memref<1000x128xf32, #tpu.memory_space<vmem>>, vector<1000x128xf32>,
    return
  }
  func.func @transform_0(%arg0: i32) -> (i32, i32, i32) {
    %c0_i32 = arith.constant 0 : i32
    %c0_i32_0 = arith.constant 0 : i32
    %c0_i32_1 = arith.constant 0 : i32
    return %c0_i32, %arg0, %c0_i32_0 : i32, i32, i32
  }
  func.func @transform_1(%arg0: i32) -> (i32, i32) {
    %c0_i32 = arith.constant 0 : i32
    %c0_i32_0 = arith.constant 0 : i32
    %c0_i32_1 = arith.constant 0 : i32
    return %c0_i32, %c0_i32_0 : i32, i32
  }
  func.func @transform_2(%arg0: i32) -> (i32, i32) {
    %c0_i32 = arith.constant 0 : i32
    %c0_i32_0 = arith.constant 0 : i32
    %c0_i32_1 = arith.constant 0 : i32
    return %c0_i32, %c0_i32_0 : i32, i32
  }
  func.func @transform_3(%arg0: i32) -> (i32, i32) {
    %c0_i32 = arith.constant 0 : i32
    %c0_i32_0 = arith.constant 0 : i32
    return %arg0, %c0_i32 : i32, i32
  }
}

module attributes {stable_mosaic.version = 14 : i64} {
  func.func @_final_kernel(%arg0: i32, %arg1: memref<2x1000x128xf32, #tpu.memory_space<vmem>>, %arg2: memref<1x128xf32, #tpu.memory_space<vmem>>, %arg3: memref<1000x128xf32, #tpu.memory_space<vmem>>) attributes {dimension_semantics = [#tpu.dimension_semantics<arbitrary>], iteration_bounds = array<i64: 10>, scalar_prefetch = 0 : i64, scratch_operands = 0 : i64, tpu.core_type = #tpu.core_type<tc>, window_params = [{transform_indices = @transform_0, window_bounds = array<i64: 2, 1000, 128>}, {pipeline_mode = #tpu.pipeline_mode<synchronous>, transform_indices = @transform_1, window_bounds = array<i64: 1, 128>}, {transform_indices = @transform_2, window_bounds = array<i64: 1000, 128>}]} {
    %get3A = arith.constant 0 : index
    %get3A_0 = arith.constant 0 : index
    %get3A_1 = arith.constant 0 : index
    %get3A_2 = vector.load %arg1[%get3A, %get3A_0, %get3A_1] : memref<2x1000x128xf32, #tpu.memory_space<vmem>>, vector<1x1000x128xf32>
    %get3A_3 = vector.shape_cast %get3A_2 : vector<1x1000x128xf32> to vector<1000x128xf32>
    %get3A_4 = arith.constant 1 : index
    %get3A_5 = arith.constant 0 : index
    %get3A_6 = arith.constant 0 : index
    %get3A_7 = vector.load %arg1[%get3A_4, %get3A_5, %get3A_6] : memref<2x1000x128xf32, #tpu.memory_space<vmem>>, vector<1x1000x128xf32>
    %get3A_8 = vector.shape_cast %get3A_7 : vector<1x1000x128xf32> to vector<1000x128xf32>
    %add3A = arith.addf %get3A_3, %get3A_8 : vector<1000x128xf32>
    %get3A_9 = arith.constant 0 : index
    %get3A_10 = arith.constant 0 : index
    %get3A_11 = vector.load %arg2[%get3A_9, %get3A_10] : memref<1x128xf32, #tpu.memory_space<vmem>>, vector<1x128xf32>
    %add3A_12 = vector.broadcast %get3A_11 : vector<1x128xf32> to vector<1000x128xf32>
    %add3A_13 = arith.addf %add3A, %add3A_12 : vector<1000x128xf32>
    %swap3A = arith.constant 0 : index
    %swap3A_14 = arith.constant 0 : index
    %swap3A_15 = vector.load %arg3[%swap3A, %swap3A_14] : memref<1000x128xf32, #tpu.memory_space<vmem>>, vector<1000x128xf32>
    tpu.vector_store %arg3[%swap3A, %swap3A_14], %add3A_13 {strides = array<i32>} : memref<1000x128xf32, #tpu.memory_space<vmem>>, vector<1000x128xf32>,
    return
  }
  func.func @transform_0(%arg0: i32) -> (i32, i32, i32) {
    %c0_i32 = arith.constant 0 : i32
    %c0_i32_0 = arith.constant 0 : i32
    %c0_i32_1 = arith.constant 0 : i32
    return %c0_i32, %arg0, %c0_i32_0 : i32, i32, i32
  }
  func.func @transform_1(%arg0: i32) -> (i32, i32) {
    %c0_i32 = arith.constant 0 : i32
    %c0_i32_0 = arith.constant 0 : i32
    %c0_i32_1 = arith.constant 0 : i32
    return %c0_i32, %c0_i32_0 : i32, i32
  }
  func.func @transform_2(%arg0: i32) -> (i32, i32) {
    %c0_i32 = arith.constant 0 : i32
    %c0_i32_0 = arith.constant 0 : i32
    return %arg0, %c0_i32 : i32, i32
  }
}

</mosaic_0001>

<sc_bundles>
// kernel: kernel.12.cloned.1.call-start
scs
__scs_entry_jumppad:
0x0: {  	(pc) =	sbr.rel $0x88, $3  }
0x1: {  	(tag) =	ssettag $0x0;
	lr =	simm.s32 $0x1  }
0x2: {  	[smem:$0x3F99] =	sst lr;
	_ =	strace $0xD0000000  }
0x3: {  	_ = 	snop  }
0x4: {  	_ = 	snop  }
0x5: {  	_ = 	snop  }
0x6: {  	_ = 	snop  }
0x7: {  	_ = 	snop  }
__scs_overlays_trampoline_lowered:
0x8: {  	[smem:$0x3FA8] =	sst s0  }
0x9: {  	[smem:$0x3FA9] =	sst s1  }
0xa: {  	[smem:$0x3FAA] =	sst s2  }
0xb: {  	[smem:$0x3FAB] =	sst s3  }
0xc: {  	[smem:$0x3FAC] =	sst s4  }
0xd: {  	[smem:$0x3FAD] =	sst s5  }
0xe: {  	[smem:$0x3FAE] =	sst s6  }
0xf: {  	[smem:$0x3FAF] =	sst s7  }
0x10: {  	[smem:$0x3FB0] =	sst s8  }
0x11: {  	[smem:$0x3FB1] =	sst s9;
	s0 =	simm.s32 @!p0 $0x0  }
0x12: {  	s1 =	sld [smem:$0x3F97];
	s0 =	simm.s32 @p0 $0x1  }
0x13: {  	[smem:$0x3FB2] =	sst s0;
	s0 =	simm.s32 @!p1 $0x0  }
0x14: {  	s2 =	sld [smem:$0x3F96];
	s0 =	simm.s32 @p1 $0x1  }
0x15: {  	[smem:$0x3FB3] =	sst s0;
	s0 =	simm.s32 @!p2 $0x0  }
0x16: {  	s3 =	sld [smem:$0x3FDB];
	s0 =	simm.s32 @p2 $0x1  }
0x17: {  	s4 =	simm.s32 $0x1BF5;
	[smem:$0x3FB5] =	sst s0  }
0x18: {  	s0 =	sld [smem:$0x3F98];
	_ =	swait.ge [sflag:s4], $0x0  }
0x19: {  	s7 =	sld [smem:$0x3F99]  }
0x1a: {  	s8 =	sadd.s32 $0xFFFFE003, lr  }
0x1b: {  	s9 =	sadd.s32 $0xFFFFFEF7, lr;
	s5 =	simm.s32 $0xFFFFFFFF;
	p2 =	slt.u32 s8, $0xFFFFF086  }
0x1c: {  	p1 =	slt.u32 s9, $0xF7A;
	s5 =	simm.s32 @!p2 $0x0  }
0x1d: {  	s5 =	simm.s32 @p1 $0x1;
	p0 =	seq.s32 s7, s2  }
0x1e: {  	s7 =	smul.u32 @!p0 $0xF7A, s2;
	p2 =	seq.s32 @!p0 s5, $0x0  }
0x1f: {  	s9 =	smul.u32 $0xF7A, s1;
	s8 =	simm.s32 @!p0 $0x1BF5;
	p2 =	por !p2, p0  }
0x20: {  	[sflag:s8] =	ssyncset.s32 @!p0 $0xFFFFF086;
	s6 =	sadd.s32 @!p0 s3, s7;
	s7 =	simm.s32 @!p0 $0x108  }
0x21: {  	s3 =	sadd.s32 s3, s9;
	s6 =	sadd.s32 @!p0 $0x88, s6;
	s7 =	simm.s32 @p2 $0x1082  }
0x22: {  	[simem:s7], [sflag:s8] =	dma.local @!p0 [hbm:s6], $0xF7A  }
0x23: {  	s9 =	sor.u32 $0xD0000000, s2;
	s6 =	simm.s32 $0x108;
	_ =	swait.ge @!p0 [sflag:s8], $0x0  }
0x24: {  	s3 =	sadd.s32 $0x88, s3;
	s6 =	simm.s32 @!p1 $0x1082;
	[sflag:s4] =	ssyncset.s32 $0xFFFFF086  }
0x25: {  	[simem:s6], [sflag:s4] =	dma.local [hbm:s3], $0xF7A  }
0x26: {  	[smem:$0x3F99] =	sst s1;
	(tag) =	ssettag s2;
	_ =	strace s9  }
0x27: {  	s1 =	sld [smem:$0x3FA9]  }
0x28: {  	s2 =	sld [smem:$0x3FAA]  }
0x29: {  	s4 =	sld [smem:$0x3FAC]  }
0x2a: {  	p0 =	seq.s32 s5, $0x0;
	s5 =	sld [smem:$0x3FAD]  }
0x2b: {  	s6 =	sld [smem:$0x3FAE]  }
0x2c: {  	s7 =	sld [smem:$0x3FAF]  }
0x2d: {  	s3 =	simm.s32 $0x108;
	s8 =	sld [smem:$0x3FB0]  }
0x2e: {  	s3 =	simm.s32 @!p0 $0x1082;
	s9 =	sld [smem:$0x3FB1]  }
0x2f: {  	lr =	sadd.s32 s0, s3;
	s0 =	sld [smem:$0x3FA8]  }
0x30: {  	s3 =	sld [smem:$0x3FAB]  }
0x31: {  	[smem:$0x3FB4] =	sst s10  }
0x32: {  	s10 =	sld [smem:$0x3FB2];
	_ =	sdelay $0x3  }
0x33: {  	p0 =	seq.s32 s10, $0x1;
	s10 =	sld [smem:$0x3FB4];
	_ =	sdelay $0x3  }
0x34: {  	[smem:$0x3FB4] =	sst s10  }
0x35: {  	s10 =	sld [smem:$0x3FB3];
	_ =	sdelay $0x3  }
0x36: {  	p1 =	seq.s32 s10, $0x1;
	s10 =	sld [smem:$0x3FB4];
	_ =	sdelay $0x3  }
0x37: {  	[smem:$0x3FB4] =	sst s10  }
0x38: {  	s10 =	sld [smem:$0x3FB5]  }
0x39: {  	_ = 	snop;
	(pc) =	sbr.ind lr, $3  }
0x3a: {  	_ = 	snop  }
0x3b: {  	_ = 	snop  }
0x3c: {  	p2 =	seq.s32 s10, $0x1;
	s10 =	sld [smem:$0x3FB4]  }
0x3d: {  	_ =	shalt  }
0x3e: {  	_ =	shalt  }
0x3f: {  	_ =	shalt  }
0x40: {  	_ =	shalt  }
0x41: {  	_ =	shalt  }
0x42: {  	_ =	shalt  }
0x43: {  	_ =	shalt  }
0x44: {  	_ =	shalt  }
0x45: {  	_ =	shalt  }
0x46: {  	_ =	shalt  }
0x47: {  	_ =	shalt  }
0x48: {  	_ =	shalt  }
0x49: {  	_ =	shalt  }
0x4a: {  	_ =	shalt  }
0x4b: {  	_ =	shalt  }
0x4c: {  	_ =	shalt  }
0x4d: {  	_ =	shalt  }
0x4e: {  	_ =	shalt  }
0x4f: {  	_ =	shalt  }
0x50: {  	_ =	shalt  }
0x51: {  	_ =	shalt  }
0x52: {  	_ =	shalt  }
0x53: {  	_ =	shalt  }
0x54: {  	_ =	shalt  }
0x55: {  	_ =	shalt  }
0x56: {  	_ =	shalt  }
0x57: {  	_ =	shalt  }
0x58: {  	_ =	shalt  }
0x59: {  	_ =	shalt  }
0x5a: {  	_ =	shalt  }
0x5b: {  	_ =	shalt  }
0x5c: {  	_ =	shalt  }
0x5d: {  	_ =	shalt  }
0x5e: {  	_ =	shalt  }
0x5f: {  	_ =	shalt  }
0x60: {  	_ =	shalt  }
0x61: {  	_ =	shalt  }
0x62: {  	_ =	shalt  }
0x63: {  	_ =	shalt  }
0x64: {  	_ =	shalt  }
0x65: {  	_ =	shalt  }
0x66: {  	_ =	shalt  }
0x67: {  	_ =	shalt  }
0x68: {  	_ =	shalt  }
0x69: {  	_ =	shalt  }
0x6a: {  	_ =	shalt  }
0x6b: {  	_ =	shalt  }
0x6c: {  	_ =	shalt  }
0x6d: {  	_ =	shalt  }
0x6e: {  	_ =	shalt  }
0x6f: {  	_ =	shalt  }
0x70: {  	_ =	shalt  }
0x71: {  	_ =	shalt  }
0x72: {  	_ =	shalt  }
0x73: {  	_ =	shalt  }
0x74: {  	_ =	shalt  }
0x75: {  	_ =	shalt  }
0x76: {  	_ =	shalt  }
0x77: {  	_ =	shalt  }
0x78: {  	_ =	shalt  }
0x79: {  	_ =	shalt  }
0x7a: {  	_ =	shalt  }
0x7b: {  	_ =	shalt  }
0x7c: {  	_ =	shalt  }
0x7d: {  	_ =	shalt  }
0x7e: {  	_ =	shalt  }
0x7f: {  	_ =	shalt  }
0x80: {  	_ =	shalt  }
0x81: {  	_ =	shalt  }
0x82: {  	_ =	shalt  }
0x83: {  	_ =	shalt  }
0x84: {  	_ =	shalt  }
0x85: {  	_ =	shalt  }
0x86: {  	_ =	shalt  }
0x87: {  	_ =	shalt  }
.Lfunc_end0:
.L_simem_size_0:
called_computation.1_lowered:
.L_overlay_start_0:
0x88: {  	s2 =	sld [smem:$0x3FD9]  }
0x89: {  	s3 =	sld [smem:$0x3FFE];
	_ =	sdelay $0x1  }
0x8a: {  	s1 =	srdreg.scid  }
0x8b: {  	s0 =	sand.u32 $0x1, s1  }
0x8c: {  	s17 =	sshll.u32 s0, $0xA;
	s2 =	sadd.s32 s3, s2  }
0x8d: {  	s2 =	sadd.s32 s2, s17  }
0x8e: {  	[smem:$0x3FC0] =	sst s2  }
0x8f: {  	_ = 	snop  }
0x90: {  	s2 =	sld [smem:$0x3FD0];
	(tm) =	ssettm $0x1  }
0x91: {  	s18 =	sld [smem:$0x3FFB];
	_ =	sdelay $0x3  }
0x92: {  	_ =	strace s18  }
0x93: {  	s3 =	sld [smem:$0x3FFC];
	_ =	sdelay $0x3  }
0x94: {  	_ =	strace s3  }
0x95: {  	s3 =	sld [smem:$0x3FFD];
	_ =	sdelay $0x3  }
0x96: {  	_ =	strace s3  }
0x97: {  	_ =	strace $0x8FFFFFFF  }
0x98: {  	s19 =	sld [smem:$0x3FDB];
	_ =	sdelay $0x1  }
0x99: {  	s4 =	simm.s32 $_scs_section_size  }
0x9a: {  	s5 =	simm.s32 $_size__tile_overlayer_lowered;
	s6 =	simm.s32 $_tile_overlayer_lowered  }
0x9b: {  	s22 =	simm.s32 $0x1BFF;
	s21 =	sshll.u32 s6, $0x1;
	s3 =	sadd.s32 s4, s19  }
0x9c: {  	s7 =	simm.s32 $0x0;
	s20 =	sshll.u32 s5, $0x1;
	s5 =	sadd.s32 s21, s3  }
0x9d: {  	[timem:s7], [sflag:s22] =	dma.local [hbm:s5], s20  }
0x9e: {  	_ =	swait.ge [sflag:s22], s20  }
0x9f: {  	s4 =	ssub.s32 $0x0, s20;
	[sflag:s22] =	ssyncset.done $0x0  }
0xa0: {  	[sflag:s22] =	ssyncadd.s32 s4;
	_ =	sdelay $0x1  }
0xa1: {  	s23 =	simm.s32 $0x1B8B  }
0xa2: {  	_ =	swait.ge [sflag:s23], $0x1  }
0xa3: {  	[sflag:s23] =	ssyncset.done $0x0  }
0xa4: {  	s25 =	simm.s32 $0x1B8E;
	s24 =	sld [smem:$0x3FFE];
	[sflag:s23] =	ssyncadd.s32 $0xFFFFFFFF  }
0xa5: {  	s26 =	simm.s32 $execute0_lowered;
	[smem:$0x3FD2] =	sst s25  }
0xa6: {  	s5 =	sshll.u32 s26, $0x1;
	_ =	strace $0x80000049;
	[dreg:$0x1] =	wrdreg $0xFFFFFFFF  }
0xa7: {  	s28 =	simm.s32 $_size_execute0_lowered;
	s3 =	sadd.s32 s3, s5;
	[dreg:$0x0] =	wrdreg $0x0  }
0xa8: {  	s5 =	sshll.u32 s28, $0x1;
	[dreg:$0x2] =	wrdreg s3  }
0xa9: {  	[dreg:$0x3] =	wrdreg s5  }
0xaa: {  	[dreg:$0x4] =	wrdreg $0xC0  }
0xab: {  	_ =	task [dreg:s7], $0x5FFFF  }
0xac: {  	[dreg:$0x1] =	wrdreg $0xFFFFFFFF  }
0xad: {  	[dreg:$0x0] =	wrdreg $0x60  }
0xae: {  	[dreg:$0x2] =	wrdreg s2  }
0xaf: {  	[dreg:$0x3] =	wrdreg s24  }
0xb0: {  	[dreg:$0x4] =	wrdreg $0x0  }
0xb1: {  	[dreg:$0x5] =	wrdreg $0x9  }
0xb2: {  	_ =	task.clear_ibuf [dreg:s7], $0x6FFFF;
	_ =	strace $0x90000049  }
0xb3: {  	s29 =	simm.s32 $0x9;
	_ =	strace $0x8000004B  }
0xb4: {  	_ =	swait.ge [sflag:s29], $0x1  }
0xb5: {  	[sflag:s29] =	ssyncadd.s32 $0xFFFFFFFF  }
0xb6: {  	_ =	strace $0x9000004B  }
0xb7: {  	_ =	sfence  }
0xb8: {  	s30 =	sld [smem:$0x0];
	_ =	sdelay $0x2  }
0xb9: {  	s31 =	sshll.u32 s1, $0xD;
	s1 =	sshrl.u32 s1, $0x2  }
0xba: {  	s3 =	sand.u32 $0x4000, s31;
	s1 =	sadd.s32 s1, s30  }
0xbb: {  	s0 =	sor.u32 s3, s0;
	s1 =	sshll.u32 s1, $0x11  }
0xbc: {  	s0 =	sor.u32 s1, s0  }
0xbd: {  	s0 =	sadd.s32 $0x8F2B, s0  }
0xbe: {  	[sflag:s0] =	ssyncadd.remote.s32 $0x1  }
0xbf: {  	_ =	sfence.sel $0xFFFF  }
0xc0: {  	[dreg:$0x0] =	wrdreg $0xFFFFFFFF;
	(pc) =	sbr.abs _section_cstart, $3  }
0xc1: {  	[dreg:$0x1] =	wrdreg $0xFFFFFFFF  }
0xc2: {  	_ =	task.clear_ibuf [dreg:s7], $0x2FFFF;
	_ =	strace $0x9FFFFFFF  }
0xc3: {  	(tm) =	ssettm $0x7FFFFFFF  }
tec
execute0_lowered:
.L_overlay_start_1:
0x0: {  	(tag) =	ssettag $0x1  }
0x1: {  	s0 =	srdreg.scid;
	s1 =	rddreg [dreg:$0x0]  }
0x2: {  	s25 =	stileid.u32;
	s5 =	rddreg [dreg:$0x1]  }
0x3: {  	s7 =	rddreg [dreg:$0x2];
	s16 =	simm.s32 $0x80;
	s17 =	simm.s32 $0x400  }
0x4: {  	s18 =	simm.s32 $0x14000;
	s19 =	simm.s32 $0x3;
	s20 =	simm.s32 $0x16780  }
0x5: {  	s21 =	simm.s32 $0x1A780;
	s22 =	simm.s32 $0x50;
	s23 =	simm.s32 $0x1CF80  }
0x6: {  	s24 =	simm.s32 $0x1;
	s28 =	simm.s32 $0x0;
	s26 =	smul.u32 $0x14000, s25  }
0x7: {  	s4 =	sand.u32 $0x1, s0;
	s9 =	sshll.u32 s25, $0x7;
	s29 =	smul.u32 $0x50000, s25  }
0x8: {  	s2 =	sshll.u32 s4, $0x4;
	s10 =	smul.u32 $0x140000, s4;
	s4 =	ssub.s32 $0x2, s4  }
0x9: {  	s9 =	sand.u32 $0x380, s9;
	s6 =	sor.u32 s25, s2;
	s30 =	sshrl.u32 s4, $0x1  }
0xa: {  	s31 =	sshrl.u32 s29, $0x2;
	s25 =	sshll.u32 s25, $0x6;
	s3 =	sshrl.u32 s6, $0x3  }
0xb: {  	s6 =	sshll.u32 s6, $0xB;
	s11 =	ssub.s32 s4, s30;
	s7 =	sadd.s32 s31, s7  }
0xc: {  	s25 =	sor.u32 $0x1C03, s25;
	s8 =	smul.u32 $0x13C00, s3;
	s3 =	simm.s32 $0x0  }
0xd: {  	s6 =	sadd.s32 s6, s5;
	s12 =	sadd.s32 $0xA000, s7;
	s13 =	sadd.s32 $0xC800, s7  }
0xe: {  	s14 =	sadd.s32 $0xF000, s7;
	s15 =	sadd.s32 $0x11800, s7;
	[smem:$0x7FF] =	sst s3  }
0xf: {  	s8 =	sor.u32 s9, s8;
	_ =	strace $0x8000004A;
	s9 =	sadd.s32 s26, s10  }
0x10: {  	s10 =	sadd.s32 $0x5000, s7;
	s8 =	sshrl.u32 s8, $0x3;
	s9 =	sshrl.u32 s9, $0x3  }
0x11: {  	s26 =	simm.s32 $0x2;
	s8 =	sadd.s32 s8, s5;
	s9 =	sadd.s32 s9, s5  }
0x12: {  	s5 =	sadd.s32 $0xC800, s6;
	s4 =	sadd.s32 $0x2A00, s8;
	s6 =	sadd.s32 $0x1C800, s9  }
0x13: {  	v0 =	vimm.f32 $0.0e+00;
	s8 =	smax.u32 s11, $0x1;
	s9 =	sadd.s32 $0x2800, s7;
	s11 =	sadd.s32 $0x7800, s7  }
.LBB2_1:
0x14: {  	[tilespmem:s18], [sflag:$0x3] =	stream.strided.gather [hbm4b:s4+s16], $0x2780, s17, s16, $0x38;
	[tilespmem:$0x1F780] =	vst v63  }
0x15: {  	_ =	swait.ge [sflag:s19], $0x2780  }
0x16: {  	[sflag:s19] =	ssyncset.done $0x0  }
0x17: {  	[sflag:s19] =	ssyncadd.s32 $0xFFFFD880  }
0x18: {  	[tilespmem:s20], [sflag:$0x3] =	stream.linear.gather [hbm4b:s5+s3], $0x3E80, $0x38;
	[tilespmem:$0x1F780] =	vst v63  }
0x19: {  	_ =	swait.ge [sflag:s19], $0x3E80  }
0x1a: {  	[sflag:s19] =	ssyncset.done $0x0  }
0x1b: {  	s29 =	simm.s32 $0x0;
	s30 =	simm.s32 $0x200;
	[sflag:s19] =	ssyncadd.s32 $0xFFFFC180  }
.LBB2_2:
0x1c: {  	p0 =	sne.s32 s30, $0x9E00;
	[tilespmem:s29+$0x1A7F0] =	vst v0  }
0x1d: {  	[tilespmem:s29+$0x1A780] =	vst v0  }
0x1e: {  	[tilespmem:s29+$0x1A790] =	vst v0  }
.Ltmp0:
0x1f: {  	[tilespmem:s29+$0x1A7A0] =	vst v0;
	(pc) =	sbr.rel @p0 .LBB2_2-.Ltmp0, $4  }
0x20: {  	[tilespmem:s29+$0x1A7B0] =	vst v0  }
0x21: {  	[tilespmem:s29+$0x1A7C0] =	vst v0  }
0x22: {  	[tilespmem:s29+$0x1A7D0] =	vst v0  }
0x23: {  	[tilespmem:s29+$0x1A7E0] =	vst v0;
	s29 =	sshra.s32 s30, $0x2;
	s30 =	sadd.s32 $0x200, s30  }
0x24: {  	[tilespmem:s29+$0x1A7F0] =	vst v0  }
0x25: {  	[tilespmem:s29+$0x1A780] =	vst v0  }
0x26: {  	[tilespmem:s29+$0x1A790] =	vst v0  }
0x27: {  	[tilespmem:s29+$0x1A7A0] =	vst v0  }
0x28: {  	[tilespmem:s29+$0x1A7B0] =	vst v0  }
0x29: {  	[tilespmem:s29+$0x1A7C0] =	vst v0  }
0x2a: {  	[tilespmem:s29+$0x1A7D0] =	vst v0  }
0x2b: {  	[tilespmem:s29+$0x1A7E0] =	vst v0  }
0x2c: {  	[spmem:s7] =	stream.linear.scatter [tilespmem:s21], [sflag:$0x3], $0x2800, $0x38;
	[tilespmem:$0x1F780] =	vst v63  }
0x2d: {  	_ =	swait.ge [sflag:s19], $0x2800  }
0x2e: {  	[sflag:s19] =	ssyncset.done $0x0  }
0x2f: {  	[sflag:s19] =	ssyncadd.s32 $0xFFFFD800  }
0x30: {  	[spmem:s9] =	stream.linear.scatter [tilespmem:s21], [sflag:$0x3], $0x2800, $0x38;
	[tilespmem:$0x1F780] =	vst v63  }
0x31: {  	_ =	swait.ge [sflag:s19], $0x2800  }
0x32: {  	[sflag:s19] =	ssyncset.done $0x0  }
0x33: {  	[sflag:s19] =	ssyncadd.s32 $0xFFFFD800  }
0x34: {  	[spmem:s10] =	stream.linear.scatter [tilespmem:s21], [sflag:$0x3], $0x2800, $0x38;
	[tilespmem:$0x1F780] =	vst v63  }
0x35: {  	_ =	swait.ge [sflag:s19], $0x2800  }
0x36: {  	[sflag:s19] =	ssyncset.done $0x0  }
0x37: {  	[sflag:s19] =	ssyncadd.s32 $0xFFFFD800  }
0x38: {  	[spmem:s11] =	stream.linear.scatter [tilespmem:s21], [sflag:$0x3], $0x2800, $0x38;
	[tilespmem:$0x1F780] =	vst v63  }
0x39: {  	_ =	swait.ge [sflag:s19], $0x2800  }
0x3a: {  	[sflag:s19] =	ssyncset.done $0x0  }
0x3b: {  	[sflag:s19] =	ssyncadd.s32 $0xFFFFD800  }
0x3c: {  	[spmem:s12] =	stream.linear.scatter [tilespmem:s21], [sflag:$0x3], $0x2800, $0x38;
	[tilespmem:$0x1F780] =	vst v63  }
0x3d: {  	_ =	swait.ge [sflag:s19], $0x2800  }
0x3e: {  	[sflag:s19] =	ssyncset.done $0x0  }
0x3f: {  	[sflag:s19] =	ssyncadd.s32 $0xFFFFD800  }
0x40: {  	[spmem:s13] =	stream.linear.scatter [tilespmem:s21], [sflag:$0x3], $0x2800, $0x38;
	[tilespmem:$0x1F780] =	vst v63  }
0x41: {  	_ =	swait.ge [sflag:s19], $0x2800  }
0x42: {  	[sflag:s19] =	ssyncset.done $0x0  }
0x43: {  	[sflag:s19] =	ssyncadd.s32 $0xFFFFD800  }
0x44: {  	[spmem:s14] =	stream.linear.scatter [tilespmem:s21], [sflag:$0x3], $0x2800, $0x38;
	[tilespmem:$0x1F780] =	vst v63  }
0x45: {  	_ =	swait.ge [sflag:s19], $0x2800  }
0x46: {  	[sflag:s19] =	ssyncset.done $0x0  }
0x47: {  	[sflag:s19] =	ssyncadd.s32 $0xFFFFD800  }
0x48: {  	[spmem:s15] =	stream.linear.scatter [tilespmem:s21], [sflag:$0x3], $0x2800, $0x38;
	[tilespmem:$0x1F780] =	vst v63  }
0x49: {  	_ =	swait.ge [sflag:s19], $0x2800  }
0x4a: {  	[sflag:s19] =	ssyncset.done $0x0  }
0x4b: {  	[sflag:s19] =	ssyncadd.s32 $0xFFFFD800  }
0x4c: {  	[bflag:$0x0] =	sbarrier.arrive $0xFFFF  }
0x4d: {  	[tilespmem:s21], [sflag:$0x1] =	stream.indirect.gather [hbm4b:s1+s22], $0x80, s18, s22, $0xb8;
	[tilespmem:$0x1F780] =	vst v63  }
0x4e: {  	s29 =	simm.s32 $0x14050  }
0x4f: {  	[tilespmem:s23], [sflag:$0x2] =	stream.indirect.gather [hbm4b:s1+s22], $0x80, s29, s22, $0xb8;
	[tilespmem:$0x1F780] =	vst v63  }
0x50: {  	_ =	swait.ge [sflag:s24], $0x2800  }
0x51: {  	[sflag:s24] =	ssyncset.done $0x0  }
0x52: {  	s29 =	simm.s32 $0x140A0;
	[sflag:s24] =	ssyncadd.s32 $0xFFFFD800  }
0x53: {  	[tilespmem:s21], [sflag:$0x1] =	stream.indirect.gather [hbm4b:s1+s22], $0x80, s29, s22, $0xb8;
	[tilespmem:$0x1F780] =	vst v63  }
0x54: {  	_ =	swait.ge [sflag:s26], $0x2800  }
0x55: {  	s30 =	simm.s32 $0xFFFF6A00;
	s29 =	simm.s32 $0xFFFFD9E0;
	[sflag:s26] =	ssyncset.done $0x0  }
.LBB2_4:
0x56: {  	s31 =	sadd.s32 $0x16710, s29  }
0x57: {  	[sflag:s26] =	ssyncadd.s32 $0xFFFFD800;
	s2 =	smov.u32 s30;
	s0 =	sadd.s32 $0x280, s30  }
0x58: {  	[tilespmem:s23], [sflag:$0x2] =	stream.indirect.gather [hbm4b:s1+s22], $0x80, s31, s22, $0xb8;
	[tilespmem:$0x1F780] =	vst v63  }
0x59: {  	p0 =	sne.s32 s30, $0xFFFFFD80;
	_ =	swait.ge [sflag:s24], $0x2800  }
.Ltmp1:
0x5a: {  	[sflag:s24] =	ssyncset.done $0x0;
	(pc) =	sbr.rel @p0 .LBB2_4-.Ltmp1, $4  }
0x5b: {  	s29 =	sadd.s32 $0x16760, s29;
	[sflag:s24] =	ssyncadd.s32 $0xFFFFD800  }
0x5c: {  	[tilespmem:s21], [sflag:$0x1] =	stream.indirect.gather [hbm4b:s1+s22], $0x80, s29, s22, $0xb8;
	[tilespmem:$0x1F780] =	vst v63  }
0x5d: {  	_ =	swait.ge [sflag:s26], $0x2800  }
0x5e: {  	s30 =	smov.u32 s0;
	s29 =	sshra.s32 s2, $0x2;
	[sflag:s26] =	ssyncset.done $0x0  }
0x5f: {  	s0 =	sadd.s32 $0x16710, s29;
	[sflag:s26] =	ssyncadd.s32 $0xFFFFD800  }
0x60: {  	[tilespmem:s23], [sflag:$0x2] =	stream.indirect.gather [hbm4b:s1+s22], $0x80, s0, s22, $0xb8;
	[tilespmem:$0x1F780] =	vst v63  }
0x61: {  	_ =	swait.ge [sflag:s24], $0x2800  }
0x62: {  	[sflag:s24] =	ssyncset.done $0x0  }
0x63: {  	s30 =	sadd.s32 $0x16760, s29;
	[sflag:s24] =	ssyncadd.s32 $0xFFFFD800  }
0x64: {  	[tilespmem:s21], [sflag:$0x1] =	stream.indirect.gather [hbm4b:s1+s22], $0x80, s30, s22, $0xb8;
	[tilespmem:$0x1F780] =	vst v63  }
0x65: {  	_ =	swait.ge [sflag:s26], $0x2800  }
0x66: {  	[sflag:s26] =	ssyncset.done $0x0  }
0x67: {  	[sflag:s26] =	ssyncadd.s32 $0xFFFFD800  }
0x68: {  	_ =	swait.ge [sflag:s24], $0x2800  }
0x69: {  	s28 =	sadd.s32 $0x1, s28;
	[sflag:s24] =	ssyncset.done $0x0  }
0x6a: {  	p0 =	sne.s32 s28, s8;
	[sflag:s24] =	ssyncadd.s32 $0xFFFFD800  }
.Ltmp2:
0x6b: {  	s31 =	sshrl.u32 s7, $0x3;
	[bflag:$0x0] =	sbarrier.arrive $0xFFFF;
	(pc) =	sbr.rel @p0 .LBB2_1-.Ltmp2, $4  }
0x6c: {  	[hbm:s6], [sflag:s25] =	dma.local [spmem:s31], $0x2800  }
0x6d: {  	_ =	swait.ge [sflag:s19], $0x2800  }
0x6e: {  	[sflag:s19] =	ssyncset.done $0x0  }
0x6f: {  	[sflag:s19] =	ssyncadd.s32 $0xFFFFD800  }
0x70: {  	_ =	sfence.sel $0x180000  }
0x71: {  	[bflag:$0x0] =	sbarrier.arrive $0xFFFF  }
0x72: {  	_ =	strace $0x9000004A  }
0x73: {  	s0 =	stileid.u32;
	[bflag:$0x2] =	sbarrier.arrive $0xFFFF  }
0x74: {  	p0 =	sne.s32 s0, $0x0;
	s0 =	rddreg [dreg:$0x3]  }
0x75: {  	s0 =	sadd.s32 @!p0 $0x100000, s0  }
0x76: {  	[sflag:s0] =	ssyncadd.tile.s32 @!p0 $0x1;
	_ =	shalt  }
.Lfunc_end2:
_tile_overlayer_lowered:
.L_overlay_start_2:
0x77: {  	(tag) =	ssettag $0x2  }
0x78: {  	s0 =	rddreg [dreg:$0x0];
	s2 =	stileid.u32  }
0x79: {  	s1 =	rddreg [dreg:$0x1];
	p0 =	sne.s32 s2, $0x0  }
0x7a: {  	s3 =	rddreg [dreg:$0x2];
	[bflag:$0x3] =	sbarrier.arrive $0xFFFF;
	s2 =	simm.s32 @!p0 $0x1C03  }
0x7b: {  	[timem:s3], [sflag:s2] =	dma.local @!p0 [hbm:s0], s1  }
0x7c: {  	s0 =	simm.s32 @!p0 $0x3  }
0x7d: {  	_ =	swait.ge @!p0 [sflag:s0], s1  }
0x7e: {  	s1 =	ssub.s32 @!p0 $0x0, s1;
	[sflag:s0] =	ssyncset.done @!p0 $0x0  }
0x7f: {  	[sflag:s0] =	ssyncadd.s32 @!p0 s1  }
0x80: {  	[bflag:$0x3] =	sbarrier.arrive $0xFFFF  }
0x81: {  	_ =	shalt  }

// kernel: kernel.15.cloned.1.call-start
scs
__scs_entry_jumppad:
0x0: {  	(pc) =	sbr.rel $0x88, $3  }
0x1: {  	(tag) =	ssettag $0x0;
	lr =	simm.s32 $0x1  }
0x2: {  	[smem:$0x3F99] =	sst lr;
	_ =	strace $0xD0000000  }
0x3: {  	_ = 	snop  }
0x4: {  	_ = 	snop  }
0x5: {  	_ = 	snop  }
0x6: {  	_ = 	snop  }
0x7: {  	_ = 	snop  }
__scs_overlays_trampoline_lowered:
0x8: {  	[smem:$0x3FA8] =	sst s0  }
0x9: {  	[smem:$0x3FA9] =	sst s1  }
0xa: {  	[smem:$0x3FAA] =	sst s2  }
0xb: {  	[smem:$0x3FAB] =	sst s3  }
0xc: {  	[smem:$0x3FAC] =	sst s4  }
0xd: {  	[smem:$0x3FAD] =	sst s5  }
0xe: {  	[smem:$0x3FAE] =	sst s6  }
0xf: {  	[smem:$0x3FAF] =	sst s7  }
0x10: {  	[smem:$0x3FB0] =	sst s8  }
0x11: {  	[smem:$0x3FB1] =	sst s9;
	s0 =	simm.s32 @!p0 $0x0  }
0x12: {  	s1 =	sld [smem:$0x3F97];
	s0 =	simm.s32 @p0 $0x1  }
0x13: {  	[smem:$0x3FB2] =	sst s0;
	s0 =	simm.s32 @!p1 $0x0  }
0x14: {  	s2 =	sld [smem:$0x3F96];
	s0 =	simm.s32 @p1 $0x1  }
0x15: {  	[smem:$0x3FB3] =	sst s0;
	s0 =	simm.s32 @!p2 $0x0  }
0x16: {  	s3 =	sld [smem:$0x3FDB];
	s0 =	simm.s32 @p2 $0x1  }
0x17: {  	s4 =	simm.s32 $0x1BF5;
	[smem:$0x3FB5] =	sst s0  }
0x18: {  	s0 =	sld [smem:$0x3F98];
	_ =	swait.ge [sflag:s4], $0x0  }
0x19: {  	s7 =	sld [smem:$0x3F99]  }
0x1a: {  	s8 =	sadd.s32 $0xFFFFE003, lr  }
0x1b: {  	s9 =	sadd.s32 $0xFFFFFEF7, lr;
	s5 =	simm.s32 $0xFFFFFFFF;
	p2 =	slt.u32 s8, $0xFFFFF086  }
0x1c: {  	p1 =	slt.u32 s9, $0xF7A;
	s5 =	simm.s32 @!p2 $0x0  }
0x1d: {  	s5 =	simm.s32 @p1 $0x1;
	p0 =	seq.s32 s7, s2  }
0x1e: {  	s7 =	smul.u32 @!p0 $0xF7A, s2;
	p2 =	seq.s32 @!p0 s5, $0x0  }
0x1f: {  	s9 =	smul.u32 $0xF7A, s1;
	s8 =	simm.s32 @!p0 $0x1BF5;
	p2 =	por !p2, p0  }
0x20: {  	[sflag:s8] =	ssyncset.s32 @!p0 $0xFFFFF086;
	s6 =	sadd.s32 @!p0 s3, s7;
	s7 =	simm.s32 @!p0 $0x108  }
0x21: {  	s3 =	sadd.s32 s3, s9;
	s6 =	sadd.s32 @!p0 $0x88, s6;
	s7 =	simm.s32 @p2 $0x1082  }
0x22: {  	[simem:s7], [sflag:s8] =	dma.local @!p0 [hbm:s6], $0xF7A  }
0x23: {  	s9 =	sor.u32 $0xD0000000, s2;
	s6 =	simm.s32 $0x108;
	_ =	swait.ge @!p0 [sflag:s8], $0x0  }
0x24: {  	s3 =	sadd.s32 $0x88, s3;
	s6 =	simm.s32 @!p1 $0x1082;
	[sflag:s4] =	ssyncset.s32 $0xFFFFF086  }
0x25: {  	[simem:s6], [sflag:s4] =	dma.local [hbm:s3], $0xF7A  }
0x26: {  	[smem:$0x3F99] =	sst s1;
	(tag) =	ssettag s2;
	_ =	strace s9  }
0x27: {  	s1 =	sld [smem:$0x3FA9]  }
0x28: {  	s2 =	sld [smem:$0x3FAA]  }
0x29: {  	s4 =	sld [smem:$0x3FAC]  }
0x2a: {  	p0 =	seq.s32 s5, $0x0;
	s5 =	sld [smem:$0x3FAD]  }
0x2b: {  	s6 =	sld [smem:$0x3FAE]  }
0x2c: {  	s7 =	sld [smem:$0x3FAF]  }
0x2d: {  	s3 =	simm.s32 $0x108;
	s8 =	sld [smem:$0x3FB0]  }
0x2e: {  	s3 =	simm.s32 @!p0 $0x1082;
	s9 =	sld [smem:$0x3FB1]  }
0x2f: {  	lr =	sadd.s32 s0, s3;
	s0 =	sld [smem:$0x3FA8]  }
0x30: {  	s3 =	sld [smem:$0x3FAB]  }
0x31: {  	[smem:$0x3FB4] =	sst s10  }
0x32: {  	s10 =	sld [smem:$0x3FB2];
	_ =	sdelay $0x3  }
0x33: {  	p0 =	seq.s32 s10, $0x1;
	s10 =	sld [smem:$0x3FB4];
	_ =	sdelay $0x3  }
0x34: {  	[smem:$0x3FB4] =	sst s10  }
0x35: {  	s10 =	sld [smem:$0x3FB3];
	_ =	sdelay $0x3  }
0x36: {  	p1 =	seq.s32 s10, $0x1;
	s10 =	sld [smem:$0x3FB4];
	_ =	sdelay $0x3  }
0x37: {  	[smem:$0x3FB4] =	sst s10  }
0x38: {  	s10 =	sld [smem:$0x3FB5]  }
0x39: {  	_ = 	snop;
	(pc) =	sbr.ind lr, $3  }
0x3a: {  	_ = 	snop  }
0x3b: {  	_ = 	snop  }
0x3c: {  	p2 =	seq.s32 s10, $0x1;
	s10 =	sld [smem:$0x3FB4]  }
0x3d: {  	_ =	shalt  }
0x3e: {  	_ =	shalt  }
0x3f: {  	_ =	shalt  }
0x40: {  	_ =	shalt  }
0x41: {  	_ =	shalt  }
0x42: {  	_ =	shalt  }
0x43: {  	_ =	shalt  }
0x44: {  	_ =	shalt  }
0x45: {  	_ =	shalt  }
0x46: {  	_ =	shalt  }
0x47: {  	_ =	shalt  }
0x48: {  	_ =	shalt  }
0x49: {  	_ =	shalt  }
0x4a: {  	_ =	shalt  }
0x4b: {  	_ =	shalt  }
0x4c: {  	_ =	shalt  }
0x4d: {  	_ =	shalt  }
0x4e: {  	_ =	shalt  }
0x4f: {  	_ =	shalt  }
0x50: {  	_ =	shalt  }
0x51: {  	_ =	shalt  }
0x52: {  	_ =	shalt  }
0x53: {  	_ =	shalt  }
0x54: {  	_ =	shalt  }
0x55: {  	_ =	shalt  }
0x56: {  	_ =	shalt  }
0x57: {  	_ =	shalt  }
0x58: {  	_ =	shalt  }
0x59: {  	_ =	shalt  }
0x5a: {  	_ =	shalt  }
0x5b: {  	_ =	shalt  }
0x5c: {  	_ =	shalt  }
0x5d: {  	_ =	shalt  }
0x5e: {  	_ =	shalt  }
0x5f: {  	_ =	shalt  }
0x60: {  	_ =	shalt  }
0x61: {  	_ =	shalt  }
0x62: {  	_ =	shalt  }
0x63: {  	_ =	shalt  }
0x64: {  	_ =	shalt  }
0x65: {  	_ =	shalt  }
0x66: {  	_ =	shalt  }
0x67: {  	_ =	shalt  }
0x68: {  	_ =	shalt  }
0x69: {  	_ =	shalt  }
0x6a: {  	_ =	shalt  }
0x6b: {  	_ =	shalt  }
0x6c: {  	_ =	shalt  }
0x6d: {  	_ =	shalt  }
0x6e: {  	_ =	shalt  }
0x6f: {  	_ =	shalt  }
0x70: {  	_ =	shalt  }
0x71: {  	_ =	shalt  }
0x72: {  	_ =	shalt  }
0x73: {  	_ =	shalt  }
0x74: {  	_ =	shalt  }
0x75: {  	_ =	shalt  }
0x76: {  	_ =	shalt  }
0x77: {  	_ =	shalt  }
0x78: {  	_ =	shalt  }
0x79: {  	_ =	shalt  }
0x7a: {  	_ =	shalt  }
0x7b: {  	_ =	shalt  }
0x7c: {  	_ =	shalt  }
0x7d: {  	_ =	shalt  }
0x7e: {  	_ =	shalt  }
0x7f: {  	_ =	shalt  }
0x80: {  	_ =	shalt  }
0x81: {  	_ =	shalt  }
0x82: {  	_ =	shalt  }
0x83: {  	_ =	shalt  }
0x84: {  	_ =	shalt  }
0x85: {  	_ =	shalt  }
0x86: {  	_ =	shalt  }
0x87: {  	_ =	shalt  }
.Lfunc_end0:
.L_simem_size_0:
called_computation.2_lowered:
.L_overlay_start_0:
0x88: {  	s2 =	sld [smem:$0x3FD9]  }
0x89: {  	s3 =	sld [smem:$0x3FFE];
	_ =	sdelay $0x1  }
0x8a: {  	s1 =	srdreg.scid  }
0x8b: {  	s0 =	sand.u32 $0x1, s1  }
0x8c: {  	s17 =	sshll.u32 s0, $0xA;
	s2 =	sadd.s32 s3, s2  }
0x8d: {  	s2 =	sadd.s32 s2, s17  }
0x8e: {  	[smem:$0x3FC0] =	sst s2  }
0x8f: {  	_ = 	snop  }
0x90: {  	s2 =	sld [smem:$0x3FD0];
	(tm) =	ssettm $0x1  }
0x91: {  	s18 =	sld [smem:$0x3FFB];
	_ =	sdelay $0x3  }
0x92: {  	_ =	strace s18  }
0x93: {  	s3 =	sld [smem:$0x3FFC];
	_ =	sdelay $0x3  }
0x94: {  	_ =	strace s3  }
0x95: {  	s3 =	sld [smem:$0x3FFD];
	_ =	sdelay $0x3  }
0x96: {  	_ =	strace s3  }
0x97: {  	_ =	strace $0x8FFFFFFF  }
0x98: {  	s19 =	sld [smem:$0x3FDB];
	_ =	sdelay $0x1  }
0x99: {  	s4 =	simm.s32 $_scs_section_size  }
0x9a: {  	s5 =	simm.s32 $_size__tile_overlayer_lowered;
	s6 =	simm.s32 $_tile_overlayer_lowered  }
0x9b: {  	s22 =	simm.s32 $0x1BFF;
	s21 =	sshll.u32 s6, $0x1;
	s3 =	sadd.s32 s4, s19  }
0x9c: {  	s7 =	simm.s32 $0x0;
	s20 =	sshll.u32 s5, $0x1;
	s5 =	sadd.s32 s21, s3  }
0x9d: {  	[timem:s7], [sflag:s22] =	dma.local [hbm:s5], s20  }
0x9e: {  	_ =	swait.ge [sflag:s22], s20  }
0x9f: {  	s4 =	ssub.s32 $0x0, s20;
	[sflag:s22] =	ssyncset.done $0x0  }
0xa0: {  	[sflag:s22] =	ssyncadd.s32 s4;
	_ =	sdelay $0x1  }
0xa1: {  	s23 =	simm.s32 $0x1B8B  }
0xa2: {  	_ =	swait.ge [sflag:s23], $0x1  }
0xa3: {  	[sflag:s23] =	ssyncset.done $0x0  }
0xa4: {  	s25 =	simm.s32 $0x1B8E;
	s24 =	sld [smem:$0x3FFE];
	[sflag:s23] =	ssyncadd.s32 $0xFFFFFFFF  }
0xa5: {  	s26 =	simm.s32 $execute0_lowered;
	[smem:$0x3FD2] =	sst s25  }
0xa6: {  	s5 =	sshll.u32 s26, $0x1;
	_ =	strace $0x8000004C;
	[dreg:$0x1] =	wrdreg $0xFFFFFFFF  }
0xa7: {  	s28 =	simm.s32 $_size_execute0_lowered;
	s3 =	sadd.s32 s3, s5;
	[dreg:$0x0] =	wrdreg $0x0  }
0xa8: {  	s5 =	sshll.u32 s28, $0x1;
	[dreg:$0x2] =	wrdreg s3  }
0xa9: {  	[dreg:$0x3] =	wrdreg s5  }
0xaa: {  	[dreg:$0x4] =	wrdreg $0xC0  }
0xab: {  	_ =	task [dreg:s7], $0x5FFFF  }
0xac: {  	[dreg:$0x1] =	wrdreg $0xFFFFFFFF  }
0xad: {  	[dreg:$0x0] =	wrdreg $0x60  }
0xae: {  	[dreg:$0x2] =	wrdreg s2  }
0xaf: {  	[dreg:$0x3] =	wrdreg s24  }
0xb0: {  	[dreg:$0x4] =	wrdreg $0x0  }
0xb1: {  	[dreg:$0x5] =	wrdreg $0x9  }
0xb2: {  	_ =	task.clear_ibuf [dreg:s7], $0x6FFFF;
	_ =	strace $0x9000004C  }
0xb3: {  	s29 =	simm.s32 $0x9;
	_ =	strace $0x8000004E  }
0xb4: {  	_ =	swait.ge [sflag:s29], $0x1  }
0xb5: {  	[sflag:s29] =	ssyncadd.s32 $0xFFFFFFFF  }
0xb6: {  	_ =	strace $0x9000004E  }
0xb7: {  	_ =	sfence  }
0xb8: {  	s30 =	sld [smem:$0x0];
	_ =	sdelay $0x2  }
0xb9: {  	s31 =	sshll.u32 s1, $0xD;
	s1 =	sshrl.u32 s1, $0x2  }
0xba: {  	s3 =	sand.u32 $0x4000, s31;
	s1 =	sadd.s32 s1, s30  }
0xbb: {  	s0 =	sor.u32 s3, s0;
	s1 =	sshll.u32 s1, $0x11  }
0xbc: {  	s0 =	sor.u32 s1, s0  }
0xbd: {  	s0 =	sadd.s32 $0x8F2B, s0  }
0xbe: {  	[sflag:s0] =	ssyncadd.remote.s32 $0x1  }
0xbf: {  	_ =	sfence.sel $0xFFFF  }
0xc0: {  	[dreg:$0x0] =	wrdreg $0xFFFFFFFF;
	(pc) =	sbr.abs _section_cstart, $3  }
0xc1: {  	[dreg:$0x1] =	wrdreg $0xFFFFFFFF  }
0xc2: {  	_ =	task.clear_ibuf [dreg:s7], $0x2FFFF;
	_ =	strace $0x9FFFFFFF  }
0xc3: {  	(tm) =	ssettm $0x7FFFFFFF  }
tec
execute0_lowered:
.L_overlay_start_1:
0x0: {  	(tag) =	ssettag $0x1  }
0x1: {  	s0 =	srdreg.scid;
	s1 =	rddreg [dreg:$0x0]  }
0x2: {  	s25 =	stileid.u32;
	s5 =	rddreg [dreg:$0x1]  }
0x3: {  	s7 =	rddreg [dreg:$0x2];
	s16 =	simm.s32 $0x80;
	s17 =	simm.s32 $0x400  }
0x4: {  	s18 =	simm.s32 $0x14000;
	s19 =	simm.s32 $0x3;
	s20 =	simm.s32 $0x16780  }
0x5: {  	s21 =	simm.s32 $0x1A780;
	s22 =	simm.s32 $0x50;
	s23 =	simm.s32 $0x1CF80  }
0x6: {  	s24 =	simm.s32 $0x1;
	s28 =	simm.s32 $0x0;
	s26 =	smul.u32 $0x14000, s25  }
0x7: {  	s4 =	sand.u32 $0x1, s0;
	s9 =	sshll.u32 s25, $0x7;
	s29 =	smul.u32 $0x50000, s25  }
0x8: {  	s2 =	sshll.u32 s4, $0x4;
	s10 =	smul.u32 $0x140000, s4;
	s4 =	ssub.s32 $0x2, s4  }
0x9: {  	s9 =	sand.u32 $0x380, s9;
	s6 =	sor.u32 s25, s2;
	s30 =	sshrl.u32 s4, $0x1  }
0xa: {  	s31 =	sshrl.u32 s29, $0x2;
	s25 =	sshll.u32 s25, $0x6;
	s3 =	sshrl.u32 s6, $0x3  }
0xb: {  	s6 =	sshll.u32 s6, $0xB;
	s11 =	ssub.s32 s4, s30;
	s7 =	sadd.s32 s31, s7  }
0xc: {  	s25 =	sor.u32 $0x1C03, s25;
	s8 =	smul.u32 $0x13C00, s3;
	s3 =	simm.s32 $0x0  }
0xd: {  	s6 =	sadd.s32 s6, s5;
	s12 =	sadd.s32 $0xA000, s7;
	s13 =	sadd.s32 $0xC800, s7  }
0xe: {  	s14 =	sadd.s32 $0xF000, s7;
	s15 =	sadd.s32 $0x11800, s7;
	[smem:$0x7FF] =	sst s3  }
0xf: {  	s8 =	sor.u32 s9, s8;
	_ =	strace $0x8000004D;
	s9 =	sadd.s32 s26, s10  }
0x10: {  	s10 =	sadd.s32 $0x5000, s7;
	s8 =	sshrl.u32 s8, $0x3;
	s9 =	sshrl.u32 s9, $0x3  }
0x11: {  	s26 =	simm.s32 $0x2;
	s8 =	sadd.s32 s8, s5;
	s9 =	sadd.s32 s9, s5  }
0x12: {  	s5 =	sadd.s32 $0xC800, s6;
	s4 =	sadd.s32 $0x2A00, s8;
	s6 =	sadd.s32 $0x1C800, s9  }
0x13: {  	v0 =	vimm.f32 $0.0e+00;
	s8 =	smax.u32 s11, $0x1;
	s9 =	sadd.s32 $0x2800, s7;
	s11 =	sadd.s32 $0x7800, s7  }
.LBB2_1:
0x14: {  	[tilespmem:s18], [sflag:$0x3] =	stream.strided.gather [hbm4b:s4+s16], $0x2780, s17, s16, $0x38;
	[tilespmem:$0x1F780] =	vst v63  }
0x15: {  	_ =	swait.ge [sflag:s19], $0x2780  }
0x16: {  	[sflag:s19] =	ssyncset.done $0x0  }
0x17: {  	[sflag:s19] =	ssyncadd.s32 $0xFFFFD880  }
0x18: {  	[tilespmem:s20], [sflag:$0x3] =	stream.linear.gather [hbm4b:s5+s3], $0x3E80, $0x38;
	[tilespmem:$0x1F780] =	vst v63  }
0x19: {  	_ =	swait.ge [sflag:s19], $0x3E80  }
0x1a: {  	[sflag:s19] =	ssyncset.done $0x0  }
0x1b: {  	s29 =	simm.s32 $0x0;
	s30 =	simm.s32 $0x200;
	[sflag:s19] =	ssyncadd.s32 $0xFFFFC180  }
.LBB2_2:
0x1c: {  	p0 =	sne.s32 s30, $0x9E00;
	[tilespmem:s29+$0x1A7F0] =	vst v0  }
0x1d: {  	[tilespmem:s29+$0x1A780] =	vst v0  }
0x1e: {  	[tilespmem:s29+$0x1A790] =	vst v0  }
.Ltmp0:
0x1f: {  	[tilespmem:s29+$0x1A7A0] =	vst v0;
	(pc) =	sbr.rel @p0 .LBB2_2-.Ltmp0, $4  }
0x20: {  	[tilespmem:s29+$0x1A7B0] =	vst v0  }
0x21: {  	[tilespmem:s29+$0x1A7C0] =	vst v0  }
0x22: {  	[tilespmem:s29+$0x1A7D0] =	vst v0  }
0x23: {  	[tilespmem:s29+$0x1A7E0] =	vst v0;
	s29 =	sshra.s32 s30, $0x2;
	s30 =	sadd.s32 $0x200, s30  }
0x24: {  	[tilespmem:s29+$0x1A7F0] =	vst v0  }
0x25: {  	[tilespmem:s29+$0x1A780] =	vst v0  }
0x26: {  	[tilespmem:s29+$0x1A790] =	vst v0  }
0x27: {  	[tilespmem:s29+$0x1A7A0] =	vst v0  }
0x28: {  	[tilespmem:s29+$0x1A7B0] =	vst v0  }
0x29: {  	[tilespmem:s29+$0x1A7C0] =	vst v0  }
0x2a: {  	[tilespmem:s29+$0x1A7D0] =	vst v0  }
0x2b: {  	[tilespmem:s29+$0x1A7E0] =	vst v0  }
0x2c: {  	[spmem:s7] =	stream.linear.scatter [tilespmem:s21], [sflag:$0x3], $0x2800, $0x38;
	[tilespmem:$0x1F780] =	vst v63  }
0x2d: {  	_ =	swait.ge [sflag:s19], $0x2800  }
0x2e: {  	[sflag:s19] =	ssyncset.done $0x0  }
0x2f: {  	[sflag:s19] =	ssyncadd.s32 $0xFFFFD800  }
0x30: {  	[spmem:s9] =	stream.linear.scatter [tilespmem:s21], [sflag:$0x3], $0x2800, $0x38;
	[tilespmem:$0x1F780] =	vst v63  }
0x31: {  	_ =	swait.ge [sflag:s19], $0x2800  }
0x32: {  	[sflag:s19] =	ssyncset.done $0x0  }
0x33: {  	[sflag:s19] =	ssyncadd.s32 $0xFFFFD800  }
0x34: {  	[spmem:s10] =	stream.linear.scatter [tilespmem:s21], [sflag:$0x3], $0x2800, $0x38;
	[tilespmem:$0x1F780] =	vst v63  }
0x35: {  	_ =	swait.ge [sflag:s19], $0x2800  }
0x36: {  	[sflag:s19] =	ssyncset.done $0x0  }
0x37: {  	[sflag:s19] =	ssyncadd.s32 $0xFFFFD800  }
0x38: {  	[spmem:s11] =	stream.linear.scatter [tilespmem:s21], [sflag:$0x3], $0x2800, $0x38;
	[tilespmem:$0x1F780] =	vst v63  }
0x39: {  	_ =	swait.ge [sflag:s19], $0x2800  }
0x3a: {  	[sflag:s19] =	ssyncset.done $0x0  }
0x3b: {  	[sflag:s19] =	ssyncadd.s32 $0xFFFFD800  }
0x3c: {  	[spmem:s12] =	stream.linear.scatter [tilespmem:s21], [sflag:$0x3], $0x2800, $0x38;
	[tilespmem:$0x1F780] =	vst v63  }
0x3d: {  	_ =	swait.ge [sflag:s19], $0x2800  }
0x3e: {  	[sflag:s19] =	ssyncset.done $0x0  }
0x3f: {  	[sflag:s19] =	ssyncadd.s32 $0xFFFFD800  }
0x40: {  	[spmem:s13] =	stream.linear.scatter [tilespmem:s21], [sflag:$0x3], $0x2800, $0x38;
	[tilespmem:$0x1F780] =	vst v63  }
0x41: {  	_ =	swait.ge [sflag:s19], $0x2800  }
0x42: {  	[sflag:s19] =	ssyncset.done $0x0  }
0x43: {  	[sflag:s19] =	ssyncadd.s32 $0xFFFFD800  }
0x44: {  	[spmem:s14] =	stream.linear.scatter [tilespmem:s21], [sflag:$0x3], $0x2800, $0x38;
	[tilespmem:$0x1F780] =	vst v63  }
0x45: {  	_ =	swait.ge [sflag:s19], $0x2800  }
0x46: {  	[sflag:s19] =	ssyncset.done $0x0  }
0x47: {  	[sflag:s19] =	ssyncadd.s32 $0xFFFFD800  }
0x48: {  	[spmem:s15] =	stream.linear.scatter [tilespmem:s21], [sflag:$0x3], $0x2800, $0x38;
	[tilespmem:$0x1F780] =	vst v63  }
0x49: {  	_ =	swait.ge [sflag:s19], $0x2800  }
0x4a: {  	[sflag:s19] =	ssyncset.done $0x0  }
0x4b: {  	[sflag:s19] =	ssyncadd.s32 $0xFFFFD800  }
0x4c: {  	[bflag:$0x0] =	sbarrier.arrive $0xFFFF  }
0x4d: {  	[tilespmem:s21], [sflag:$0x1] =	stream.indirect.gather [hbm4b:s1+s22], $0x80, s18, s22, $0xb8;
	[tilespmem:$0x1F780] =	vst v63  }
0x4e: {  	s29 =	simm.s32 $0x14050  }
0x4f: {  	[tilespmem:s23], [sflag:$0x2] =	stream.indirect.gather [hbm4b:s1+s22], $0x80, s29, s22, $0xb8;
	[tilespmem:$0x1F780] =	vst v63  }
0x50: {  	_ =	swait.ge [sflag:s24], $0x2800  }
0x51: {  	[sflag:s24] =	ssyncset.done $0x0  }
0x52: {  	s29 =	simm.s32 $0x140A0;
	[sflag:s24] =	ssyncadd.s32 $0xFFFFD800  }
0x53: {  	[tilespmem:s21], [sflag:$0x1] =	stream.indirect.gather [hbm4b:s1+s22], $0x80, s29, s22, $0xb8;
	[tilespmem:$0x1F780] =	vst v63  }
0x54: {  	_ =	swait.ge [sflag:s26], $0x2800  }
0x55: {  	s30 =	simm.s32 $0xFFFF6A00;
	s29 =	simm.s32 $0xFFFFD9E0;
	[sflag:s26] =	ssyncset.done $0x0  }
.LBB2_4:
0x56: {  	s31 =	sadd.s32 $0x16710, s29  }
0x57: {  	[sflag:s26] =	ssyncadd.s32 $0xFFFFD800;
	s2 =	smov.u32 s30;
	s0 =	sadd.s32 $0x280, s30  }
0x58: {  	[tilespmem:s23], [sflag:$0x2] =	stream.indirect.gather [hbm4b:s1+s22], $0x80, s31, s22, $0xb8;
	[tilespmem:$0x1F780] =	vst v63  }
0x59: {  	p0 =	sne.s32 s30, $0xFFFFFD80;
	_ =	swait.ge [sflag:s24], $0x2800  }
.Ltmp1:
0x5a: {  	[sflag:s24] =	ssyncset.done $0x0;
	(pc) =	sbr.rel @p0 .LBB2_4-.Ltmp1, $4  }
0x5b: {  	s29 =	sadd.s32 $0x16760, s29;
	[sflag:s24] =	ssyncadd.s32 $0xFFFFD800  }
0x5c: {  	[tilespmem:s21], [sflag:$0x1] =	stream.indirect.gather [hbm4b:s1+s22], $0x80, s29, s22, $0xb8;
	[tilespmem:$0x1F780] =	vst v63  }
0x5d: {  	_ =	swait.ge [sflag:s26], $0x2800  }
0x5e: {  	s30 =	smov.u32 s0;
	s29 =	sshra.s32 s2, $0x2;
	[sflag:s26] =	ssyncset.done $0x0  }
0x5f: {  	s0 =	sadd.s32 $0x16710, s29;
	[sflag:s26] =	ssyncadd.s32 $0xFFFFD800  }
0x60: {  	[tilespmem:s23], [sflag:$0x2] =	stream.indirect.gather [hbm4b:s1+s22], $0x80, s0, s22, $0xb8;
	[tilespmem:$0x1F780] =	vst v63  }
0x61: {  	_ =	swait.ge [sflag:s24], $0x2800  }
0x62: {  	[sflag:s24] =	ssyncset.done $0x0  }
0x63: {  	s30 =	sadd.s32 $0x16760, s29;
	[sflag:s24] =	ssyncadd.s32 $0xFFFFD800  }
0x64: {  	[tilespmem:s21], [sflag:$0x1] =	stream.indirect.gather [hbm4b:s1+s22], $0x80, s30, s22, $0xb8;
	[tilespmem:$0x1F780] =	vst v63  }
0x65: {  	_ =	swait.ge [sflag:s26], $0x2800  }
0x66: {  	[sflag:s26] =	ssyncset.done $0x0  }
0x67: {  	[sflag:s26] =	ssyncadd.s32 $0xFFFFD800  }
0x68: {  	_ =	swait.ge [sflag:s24], $0x2800  }
0x69: {  	s28 =	sadd.s32 $0x1, s28;
	[sflag:s24] =	ssyncset.done $0x0  }
0x6a: {  	p0 =	sne.s32 s28, s8;
	[sflag:s24] =	ssyncadd.s32 $0xFFFFD800  }
.Ltmp2:
0x6b: {  	s31 =	sshrl.u32 s7, $0x3;
	[bflag:$0x0] =	sbarrier.arrive $0xFFFF;
	(pc) =	sbr.rel @p0 .LBB2_1-.Ltmp2, $4  }
0x6c: {  	[hbm:s6], [sflag:s25] =	dma.local [spmem:s31], $0x2800  }
0x6d: {  	_ =	swait.ge [sflag:s19], $0x2800  }
0x6e: {  	[sflag:s19] =	ssyncset.done $0x0  }
0x6f: {  	[sflag:s19] =	ssyncadd.s32 $0xFFFFD800  }
0x70: {  	_ =	sfence.sel $0x180000  }
0x71: {  	[bflag:$0x0] =	sbarrier.arrive $0xFFFF  }
0x72: {  	_ =	strace $0x9000004D  }
0x73: {  	s0 =	stileid.u32;
	[bflag:$0x2] =	sbarrier.arrive $0xFFFF  }
0x74: {  	p0 =	sne.s32 s0, $0x0;
	s0 =	rddreg [dreg:$0x3]  }
0x75: {  	s0 =	sadd.s32 @!p0 $0x100000, s0  }
0x76: {  	[sflag:s0] =	ssyncadd.tile.s32 @!p0 $0x1;
	_ =	shalt  }
.Lfunc_end2:
_tile_overlayer_lowered:
.L_overlay_start_2:
0x77: {  	(tag) =	ssettag $0x2  }
0x78: {  	s0 =	rddreg [dreg:$0x0];
	s2 =	stileid.u32  }
0x79: {  	s1 =	rddreg [dreg:$0x1];
	p0 =	sne.s32 s2, $0x0  }
0x7a: {  	s3 =	rddreg [dreg:$0x2];
	[bflag:$0x3] =	sbarrier.arrive $0xFFFF;
	s2 =	simm.s32 @!p0 $0x1C03  }
0x7b: {  	[timem:s3], [sflag:s2] =	dma.local @!p0 [hbm:s0], s1  }
0x7c: {  	s0 =	simm.s32 @!p0 $0x3  }
0x7d: {  	_ =	swait.ge @!p0 [sflag:s0], s1  }
0x7e: {  	s1 =	ssub.s32 @!p0 $0x0, s1;
	[sflag:s0] =	ssyncset.done @!p0 $0x0  }
0x7f: {  	[sflag:s0] =	ssyncadd.s32 @!p0 s1  }
0x80: {  	[bflag:$0x3] =	sbarrier.arrive $0xFFFF  }
0x81: {  	_ =	shalt  }

// kernel: kernel.9.cloned.1.call-start
scs
__scs_entry_jumppad:
0x0: {  	(pc) =	sbr.rel $0x88, $3  }
0x1: {  	(tag) =	ssettag $0x0;
	lr =	simm.s32 $0x1  }
0x2: {  	[smem:$0x3F99] =	sst lr;
	_ =	strace $0xD0000000  }
0x3: {  	_ = 	snop  }
0x4: {  	_ = 	snop  }
0x5: {  	_ = 	snop  }
0x6: {  	_ = 	snop  }
0x7: {  	_ = 	snop  }
__scs_overlays_trampoline_lowered:
0x8: {  	[smem:$0x3FA8] =	sst s0  }
0x9: {  	[smem:$0x3FA9] =	sst s1  }
0xa: {  	[smem:$0x3FAA] =	sst s2  }
0xb: {  	[smem:$0x3FAB] =	sst s3  }
0xc: {  	[smem:$0x3FAC] =	sst s4  }
0xd: {  	[smem:$0x3FAD] =	sst s5  }
0xe: {  	[smem:$0x3FAE] =	sst s6  }
0xf: {  	[smem:$0x3FAF] =	sst s7  }
0x10: {  	[smem:$0x3FB0] =	sst s8  }
0x11: {  	[smem:$0x3FB1] =	sst s9;
	s0 =	simm.s32 @!p0 $0x0  }
0x12: {  	s1 =	sld [smem:$0x3F97];
	s0 =	simm.s32 @p0 $0x1  }
0x13: {  	[smem:$0x3FB2] =	sst s0;
	s0 =	simm.s32 @!p1 $0x0  }
0x14: {  	s2 =	sld [smem:$0x3F96];
	s0 =	simm.s32 @p1 $0x1  }
0x15: {  	[smem:$0x3FB3] =	sst s0;
	s0 =	simm.s32 @!p2 $0x0  }
0x16: {  	s3 =	sld [smem:$0x3FDB];
	s0 =	simm.s32 @p2 $0x1  }
0x17: {  	s4 =	simm.s32 $0x1BF5;
	[smem:$0x3FB5] =	sst s0  }
0x18: {  	s0 =	sld [smem:$0x3F98];
	_ =	swait.ge [sflag:s4], $0x0  }
0x19: {  	s7 =	sld [smem:$0x3F99]  }
0x1a: {  	s8 =	sadd.s32 $0xFFFFE003, lr  }
0x1b: {  	s9 =	sadd.s32 $0xFFFFFEF7, lr;
	s5 =	simm.s32 $0xFFFFFFFF;
	p2 =	slt.u32 s8, $0xFFFFF086  }
0x1c: {  	p1 =	slt.u32 s9, $0xF7A;
	s5 =	simm.s32 @!p2 $0x0  }
0x1d: {  	s5 =	simm.s32 @p1 $0x1;
	p0 =	seq.s32 s7, s2  }
0x1e: {  	s7 =	smul.u32 @!p0 $0xF7A, s2;
	p2 =	seq.s32 @!p0 s5, $0x0  }
0x1f: {  	s9 =	smul.u32 $0xF7A, s1;
	s8 =	simm.s32 @!p0 $0x1BF5;
	p2 =	por !p2, p0  }
0x20: {  	[sflag:s8] =	ssyncset.s32 @!p0 $0xFFFFF086;
	s6 =	sadd.s32 @!p0 s3, s7;
	s7 =	simm.s32 @!p0 $0x108  }
0x21: {  	s3 =	sadd.s32 s3, s9;
	s6 =	sadd.s32 @!p0 $0x88, s6;
	s7 =	simm.s32 @p2 $0x1082  }
0x22: {  	[simem:s7], [sflag:s8] =	dma.local @!p0 [hbm:s6], $0xF7A  }
0x23: {  	s9 =	sor.u32 $0xD0000000, s2;
	s6 =	simm.s32 $0x108;
	_ =	swait.ge @!p0 [sflag:s8], $0x0  }
0x24: {  	s3 =	sadd.s32 $0x88, s3;
	s6 =	simm.s32 @!p1 $0x1082;
	[sflag:s4] =	ssyncset.s32 $0xFFFFF086  }
0x25: {  	[simem:s6], [sflag:s4] =	dma.local [hbm:s3], $0xF7A  }
0x26: {  	[smem:$0x3F99] =	sst s1;
	(tag) =	ssettag s2;
	_ =	strace s9  }
0x27: {  	s1 =	sld [smem:$0x3FA9]  }
0x28: {  	s2 =	sld [smem:$0x3FAA]  }
0x29: {  	s4 =	sld [smem:$0x3FAC]  }
0x2a: {  	p0 =	seq.s32 s5, $0x0;
	s5 =	sld [smem:$0x3FAD]  }
0x2b: {  	s6 =	sld [smem:$0x3FAE]  }
0x2c: {  	s7 =	sld [smem:$0x3FAF]  }
0x2d: {  	s3 =	simm.s32 $0x108;
	s8 =	sld [smem:$0x3FB0]  }
0x2e: {  	s3 =	simm.s32 @!p0 $0x1082;
	s9 =	sld [smem:$0x3FB1]  }
0x2f: {  	lr =	sadd.s32 s0, s3;
	s0 =	sld [smem:$0x3FA8]  }
0x30: {  	s3 =	sld [smem:$0x3FAB]  }
0x31: {  	[smem:$0x3FB4] =	sst s10  }
0x32: {  	s10 =	sld [smem:$0x3FB2];
	_ =	sdelay $0x3  }
0x33: {  	p0 =	seq.s32 s10, $0x1;
	s10 =	sld [smem:$0x3FB4];
	_ =	sdelay $0x3  }
0x34: {  	[smem:$0x3FB4] =	sst s10  }
0x35: {  	s10 =	sld [smem:$0x3FB3];
	_ =	sdelay $0x3  }
0x36: {  	p1 =	seq.s32 s10, $0x1;
	s10 =	sld [smem:$0x3FB4];
	_ =	sdelay $0x3  }
0x37: {  	[smem:$0x3FB4] =	sst s10  }
0x38: {  	s10 =	sld [smem:$0x3FB5]  }
0x39: {  	_ = 	snop;
	(pc) =	sbr.ind lr, $3  }
0x3a: {  	_ = 	snop  }
0x3b: {  	_ = 	snop  }
0x3c: {  	p2 =	seq.s32 s10, $0x1;
	s10 =	sld [smem:$0x3FB4]  }
0x3d: {  	_ =	shalt  }
0x3e: {  	_ =	shalt  }
0x3f: {  	_ =	shalt  }
0x40: {  	_ =	shalt  }
0x41: {  	_ =	shalt  }
0x42: {  	_ =	shalt  }
0x43: {  	_ =	shalt  }
0x44: {  	_ =	shalt  }
0x45: {  	_ =	shalt  }
0x46: {  	_ =	shalt  }
0x47: {  	_ =	shalt  }
0x48: {  	_ =	shalt  }
0x49: {  	_ =	shalt  }
0x4a: {  	_ =	shalt  }
0x4b: {  	_ =	shalt  }
0x4c: {  	_ =	shalt  }
0x4d: {  	_ =	shalt  }
0x4e: {  	_ =	shalt  }
0x4f: {  	_ =	shalt  }
0x50: {  	_ =	shalt  }
0x51: {  	_ =	shalt  }
0x52: {  	_ =	shalt  }
0x53: {  	_ =	shalt  }
0x54: {  	_ =	shalt  }
0x55: {  	_ =	shalt  }
0x56: {  	_ =	shalt  }
0x57: {  	_ =	shalt  }
0x58: {  	_ =	shalt  }
0x59: {  	_ =	shalt  }
0x5a: {  	_ =	shalt  }
0x5b: {  	_ =	shalt  }
0x5c: {  	_ =	shalt  }
0x5d: {  	_ =	shalt  }
0x5e: {  	_ =	shalt  }
0x5f: {  	_ =	shalt  }
0x60: {  	_ =	shalt  }
0x61: {  	_ =	shalt  }
0x62: {  	_ =	shalt  }
0x63: {  	_ =	shalt  }
0x64: {  	_ =	shalt  }
0x65: {  	_ =	shalt  }
0x66: {  	_ =	shalt  }
0x67: {  	_ =	shalt  }
0x68: {  	_ =	shalt  }
0x69: {  	_ =	shalt  }
0x6a: {  	_ =	shalt  }
0x6b: {  	_ =	shalt  }
0x6c: {  	_ =	shalt  }
0x6d: {  	_ =	shalt  }
0x6e: {  	_ =	shalt  }
0x6f: {  	_ =	shalt  }
0x70: {  	_ =	shalt  }
0x71: {  	_ =	shalt  }
0x72: {  	_ =	shalt  }
0x73: {  	_ =	shalt  }
0x74: {  	_ =	shalt  }
0x75: {  	_ =	shalt  }
0x76: {  	_ =	shalt  }
0x77: {  	_ =	shalt  }
0x78: {  	_ =	shalt  }
0x79: {  	_ =	shalt  }
0x7a: {  	_ =	shalt  }
0x7b: {  	_ =	shalt  }
0x7c: {  	_ =	shalt  }
0x7d: {  	_ =	shalt  }
0x7e: {  	_ =	shalt  }
0x7f: {  	_ =	shalt  }
0x80: {  	_ =	shalt  }
0x81: {  	_ =	shalt  }
0x82: {  	_ =	shalt  }
0x83: {  	_ =	shalt  }
0x84: {  	_ =	shalt  }
0x85: {  	_ =	shalt  }
0x86: {  	_ =	shalt  }
0x87: {  	_ =	shalt  }
.Lfunc_end0:
.L_simem_size_0:
called_computation_lowered:
.L_overlay_start_0:
0x88: {  	s2 =	sld [smem:$0x3FD9]  }
0x89: {  	s3 =	sld [smem:$0x3FFE];
	_ =	sdelay $0x1  }
0x8a: {  	s1 =	srdreg.scid  }
0x8b: {  	s0 =	sand.u32 $0x1, s1  }
0x8c: {  	s17 =	sshll.u32 s0, $0xA;
	s2 =	sadd.s32 s3, s2  }
0x8d: {  	s2 =	sadd.s32 s2, s17  }
0x8e: {  	[smem:$0x3FC0] =	sst s2  }
0x8f: {  	_ = 	snop  }
0x90: {  	s2 =	sld [smem:$0x3FD0];
	(tm) =	ssettm $0x1  }
0x91: {  	s18 =	sld [smem:$0x3FFB];
	_ =	sdelay $0x3  }
0x92: {  	_ =	strace s18  }
0x93: {  	s3 =	sld [smem:$0x3FFC];
	_ =	sdelay $0x3  }
0x94: {  	_ =	strace s3  }
0x95: {  	s3 =	sld [smem:$0x3FFD];
	_ =	sdelay $0x3  }
0x96: {  	_ =	strace s3  }
0x97: {  	_ =	strace $0x8FFFFFFF  }
0x98: {  	s19 =	sld [smem:$0x3FDB];
	_ =	sdelay $0x1  }
0x99: {  	s4 =	simm.s32 $_scs_section_size  }
0x9a: {  	s5 =	simm.s32 $_size__tile_overlayer_lowered;
	s6 =	simm.s32 $_tile_overlayer_lowered  }
0x9b: {  	s22 =	simm.s32 $0x1BFF;
	s21 =	sshll.u32 s6, $0x1;
	s3 =	sadd.s32 s4, s19  }
0x9c: {  	s7 =	simm.s32 $0x0;
	s20 =	sshll.u32 s5, $0x1;
	s5 =	sadd.s32 s21, s3  }
0x9d: {  	[timem:s7], [sflag:s22] =	dma.local [hbm:s5], s20  }
0x9e: {  	_ =	swait.ge [sflag:s22], s20  }
0x9f: {  	s4 =	ssub.s32 $0x0, s20;
	[sflag:s22] =	ssyncset.done $0x0  }
0xa0: {  	[sflag:s22] =	ssyncadd.s32 s4;
	_ =	sdelay $0x1  }
0xa1: {  	s23 =	simm.s32 $0x1B8B  }
0xa2: {  	_ =	swait.ge [sflag:s23], $0x1  }
0xa3: {  	[sflag:s23] =	ssyncset.done $0x0  }
0xa4: {  	s25 =	simm.s32 $0x1B8E;
	s24 =	sld [smem:$0x3FFE];
	[sflag:s23] =	ssyncadd.s32 $0xFFFFFFFF  }
0xa5: {  	s26 =	simm.s32 $execute0_lowered;
	[smem:$0x3FD2] =	sst s25  }
0xa6: {  	s5 =	sshll.u32 s26, $0x1;
	_ =	strace $0x80000046;
	[dreg:$0x1] =	wrdreg $0xFFFFFFFF  }
0xa7: {  	s28 =	simm.s32 $_size_execute0_lowered;
	s3 =	sadd.s32 s3, s5;
	[dreg:$0x0] =	wrdreg $0x0  }
0xa8: {  	s5 =	sshll.u32 s28, $0x1;
	[dreg:$0x2] =	wrdreg s3  }
0xa9: {  	[dreg:$0x3] =	wrdreg s5  }
0xaa: {  	[dreg:$0x4] =	wrdreg $0xC0  }
0xab: {  	_ =	task [dreg:s7], $0x5FFFF  }
0xac: {  	[dreg:$0x1] =	wrdreg $0xFFFFFFFF  }
0xad: {  	[dreg:$0x0] =	wrdreg $0x60  }
0xae: {  	[dreg:$0x2] =	wrdreg s2  }
0xaf: {  	[dreg:$0x3] =	wrdreg s24  }
0xb0: {  	[dreg:$0x4] =	wrdreg $0x0  }
0xb1: {  	[dreg:$0x5] =	wrdreg $0x9  }
0xb2: {  	_ =	task.clear_ibuf [dreg:s7], $0x6FFFF;
	_ =	strace $0x90000046  }
0xb3: {  	s29 =	simm.s32 $0x9;
	_ =	strace $0x80000048  }
0xb4: {  	_ =	swait.ge [sflag:s29], $0x1  }
0xb5: {  	[sflag:s29] =	ssyncadd.s32 $0xFFFFFFFF  }
0xb6: {  	_ =	strace $0x90000048  }
0xb7: {  	_ =	sfence  }
0xb8: {  	s30 =	sld [smem:$0x0];
	_ =	sdelay $0x2  }
0xb9: {  	s31 =	sshll.u32 s1, $0xD;
	s1 =	sshrl.u32 s1, $0x2  }
0xba: {  	s3 =	sand.u32 $0x4000, s31;
	s1 =	sadd.s32 s1, s30  }
0xbb: {  	s0 =	sor.u32 s3, s0;
	s1 =	sshll.u32 s1, $0x11  }
0xbc: {  	s0 =	sor.u32 s1, s0  }
0xbd: {  	s0 =	sadd.s32 $0x8F2B, s0  }
0xbe: {  	[sflag:s0] =	ssyncadd.remote.s32 $0x1  }
0xbf: {  	_ =	sfence.sel $0xFFFF  }
0xc0: {  	[dreg:$0x0] =	wrdreg $0xFFFFFFFF;
	(pc) =	sbr.abs _section_cstart, $3  }
0xc1: {  	[dreg:$0x1] =	wrdreg $0xFFFFFFFF  }
0xc2: {  	_ =	task.clear_ibuf [dreg:s7], $0x2FFFF;
	_ =	strace $0x9FFFFFFF  }
0xc3: {  	(tm) =	ssettm $0x7FFFFFFF  }
tec
execute0_lowered:
.L_overlay_start_1:
0x0: {  	(tag) =	ssettag $0x1  }
0x1: {  	s0 =	srdreg.scid;
	s1 =	rddreg [dreg:$0x0]  }
0x2: {  	s25 =	stileid.u32;
	s5 =	rddreg [dreg:$0x1]  }
0x3: {  	s7 =	rddreg [dreg:$0x2];
	s16 =	simm.s32 $0x80;
	s17 =	simm.s32 $0x400  }
0x4: {  	s18 =	simm.s32 $0x14000;
	s19 =	simm.s32 $0x3;
	s20 =	simm.s32 $0x16780  }
0x5: {  	s21 =	simm.s32 $0x1A780;
	s22 =	simm.s32 $0x50;
	s23 =	simm.s32 $0x1CF80  }
0x6: {  	s24 =	simm.s32 $0x1;
	s28 =	simm.s32 $0x0;
	s26 =	smul.u32 $0x14000, s25  }
0x7: {  	s4 =	sand.u32 $0x1, s0;
	s9 =	sshll.u32 s25, $0x7;
	s29 =	smul.u32 $0x50000, s25  }
0x8: {  	s2 =	sshll.u32 s4, $0x4;
	s10 =	smul.u32 $0x140000, s4;
	s4 =	ssub.s32 $0x2, s4  }
0x9: {  	s9 =	sand.u32 $0x380, s9;
	s6 =	sor.u32 s25, s2;
	s30 =	sshrl.u32 s4, $0x1  }
0xa: {  	s31 =	sshrl.u32 s29, $0x2;
	s25 =	sshll.u32 s25, $0x6;
	s3 =	sshrl.u32 s6, $0x3  }
0xb: {  	s6 =	sshll.u32 s6, $0xB;
	s11 =	ssub.s32 s4, s30;
	s7 =	sadd.s32 s31, s7  }
0xc: {  	s25 =	sor.u32 $0x1C03, s25;
	s8 =	smul.u32 $0x13C00, s3;
	s3 =	simm.s32 $0x0  }
0xd: {  	s6 =	sadd.s32 s6, s5;
	s12 =	sadd.s32 $0xA000, s7;
	s13 =	sadd.s32 $0xC800, s7  }
0xe: {  	s14 =	sadd.s32 $0xF000, s7;
	s15 =	sadd.s32 $0x11800, s7;
	[smem:$0x7FF] =	sst s3  }
0xf: {  	s8 =	sor.u32 s9, s8;
	_ =	strace $0x80000047;
	s9 =	sadd.s32 s26, s10  }
0x10: {  	s10 =	sadd.s32 $0x5000, s7;
	s8 =	sshrl.u32 s8, $0x3;
	s9 =	sshrl.u32 s9, $0x3  }
0x11: {  	s26 =	simm.s32 $0x2;
	s8 =	sadd.s32 s8, s5;
	s9 =	sadd.s32 s9, s5  }
0x12: {  	s5 =	sadd.s32 $0xC800, s6;
	s4 =	sadd.s32 $0x2A00, s8;
	s6 =	sadd.s32 $0x1C800, s9  }
0x13: {  	v0 =	vimm.f32 $0.0e+00;
	s8 =	smax.u32 s11, $0x1;
	s9 =	sadd.s32 $0x2800, s7;
	s11 =	sadd.s32 $0x7800, s7  }
.LBB2_1:
0x14: {  	[tilespmem:s18], [sflag:$0x3] =	stream.strided.gather [hbm4b:s4+s16], $0x2780, s17, s16, $0x38;
	[tilespmem:$0x1F780] =	vst v63  }
0x15: {  	_ =	swait.ge [sflag:s19], $0x2780  }
0x16: {  	[sflag:s19] =	ssyncset.done $0x0  }
0x17: {  	[sflag:s19] =	ssyncadd.s32 $0xFFFFD880  }
0x18: {  	[tilespmem:s20], [sflag:$0x3] =	stream.linear.gather [hbm4b:s5+s3], $0x3E80, $0x38;
	[tilespmem:$0x1F780] =	vst v63  }
0x19: {  	_ =	swait.ge [sflag:s19], $0x3E80  }
0x1a: {  	[sflag:s19] =	ssyncset.done $0x0  }
0x1b: {  	s29 =	simm.s32 $0x0;
	s30 =	simm.s32 $0x200;
	[sflag:s19] =	ssyncadd.s32 $0xFFFFC180  }
.LBB2_2:
0x1c: {  	p0 =	sne.s32 s30, $0x9E00;
	[tilespmem:s29+$0x1A7F0] =	vst v0  }
0x1d: {  	[tilespmem:s29+$0x1A780] =	vst v0  }
0x1e: {  	[tilespmem:s29+$0x1A790] =	vst v0  }
.Ltmp0:
0x1f: {  	[tilespmem:s29+$0x1A7A0] =	vst v0;
	(pc) =	sbr.rel @p0 .LBB2_2-.Ltmp0, $4  }
0x20: {  	[tilespmem:s29+$0x1A7B0] =	vst v0  }
0x21: {  	[tilespmem:s29+$0x1A7C0] =	vst v0  }
0x22: {  	[tilespmem:s29+$0x1A7D0] =	vst v0  }
0x23: {  	[tilespmem:s29+$0x1A7E0] =	vst v0;
	s29 =	sshra.s32 s30, $0x2;
	s30 =	sadd.s32 $0x200, s30  }
0x24: {  	[tilespmem:s29+$0x1A7F0] =	vst v0  }
0x25: {  	[tilespmem:s29+$0x1A780] =	vst v0  }
0x26: {  	[tilespmem:s29+$0x1A790] =	vst v0  }
0x27: {  	[tilespmem:s29+$0x1A7A0] =	vst v0  }
0x28: {  	[tilespmem:s29+$0x1A7B0] =	vst v0  }
0x29: {  	[tilespmem:s29+$0x1A7C0] =	vst v0  }
0x2a: {  	[tilespmem:s29+$0x1A7D0] =	vst v0  }
0x2b: {  	[tilespmem:s29+$0x1A7E0] =	vst v0  }
0x2c: {  	[spmem:s7] =	stream.linear.scatter [tilespmem:s21], [sflag:$0x3], $0x2800, $0x38;
	[tilespmem:$0x1F780] =	vst v63  }
0x2d: {  	_ =	swait.ge [sflag:s19], $0x2800  }
0x2e: {  	[sflag:s19] =	ssyncset.done $0x0  }
0x2f: {  	[sflag:s19] =	ssyncadd.s32 $0xFFFFD800  }
0x30: {  	[spmem:s9] =	stream.linear.scatter [tilespmem:s21], [sflag:$0x3], $0x2800, $0x38;
	[tilespmem:$0x1F780] =	vst v63  }
0x31: {  	_ =	swait.ge [sflag:s19], $0x2800  }
0x32: {  	[sflag:s19] =	ssyncset.done $0x0  }
0x33: {  	[sflag:s19] =	ssyncadd.s32 $0xFFFFD800  }
0x34: {  	[spmem:s10] =	stream.linear.scatter [tilespmem:s21], [sflag:$0x3], $0x2800, $0x38;
	[tilespmem:$0x1F780] =	vst v63  }
0x35: {  	_ =	swait.ge [sflag:s19], $0x2800  }
0x36: {  	[sflag:s19] =	ssyncset.done $0x0  }
0x37: {  	[sflag:s19] =	ssyncadd.s32 $0xFFFFD800  }
0x38: {  	[spmem:s11] =	stream.linear.scatter [tilespmem:s21], [sflag:$0x3], $0x2800, $0x38;
	[tilespmem:$0x1F780] =	vst v63  }
0x39: {  	_ =	swait.ge [sflag:s19], $0x2800  }
0x3a: {  	[sflag:s19] =	ssyncset.done $0x0  }
0x3b: {  	[sflag:s19] =	ssyncadd.s32 $0xFFFFD800  }
0x3c: {  	[spmem:s12] =	stream.linear.scatter [tilespmem:s21], [sflag:$0x3], $0x2800, $0x38;
	[tilespmem:$0x1F780] =	vst v63  }
0x3d: {  	_ =	swait.ge [sflag:s19], $0x2800  }
0x3e: {  	[sflag:s19] =	ssyncset.done $0x0  }
0x3f: {  	[sflag:s19] =	ssyncadd.s32 $0xFFFFD800  }
0x40: {  	[spmem:s13] =	stream.linear.scatter [tilespmem:s21], [sflag:$0x3], $0x2800, $0x38;
	[tilespmem:$0x1F780] =	vst v63  }
0x41: {  	_ =	swait.ge [sflag:s19], $0x2800  }
0x42: {  	[sflag:s19] =	ssyncset.done $0x0  }
0x43: {  	[sflag:s19] =	ssyncadd.s32 $0xFFFFD800  }
0x44: {  	[spmem:s14] =	stream.linear.scatter [tilespmem:s21], [sflag:$0x3], $0x2800, $0x38;
	[tilespmem:$0x1F780] =	vst v63  }
0x45: {  	_ =	swait.ge [sflag:s19], $0x2800  }
0x46: {  	[sflag:s19] =	ssyncset.done $0x0  }
0x47: {  	[sflag:s19] =	ssyncadd.s32 $0xFFFFD800  }
0x48: {  	[spmem:s15] =	stream.linear.scatter [tilespmem:s21], [sflag:$0x3], $0x2800, $0x38;
	[tilespmem:$0x1F780] =	vst v63  }
0x49: {  	_ =	swait.ge [sflag:s19], $0x2800  }
0x4a: {  	[sflag:s19] =	ssyncset.done $0x0  }
0x4b: {  	[sflag:s19] =	ssyncadd.s32 $0xFFFFD800  }
0x4c: {  	[bflag:$0x0] =	sbarrier.arrive $0xFFFF  }
0x4d: {  	[tilespmem:s21], [sflag:$0x1] =	stream.indirect.gather [hbm4b:s1+s22], $0x80, s18, s22, $0xb8;
	[tilespmem:$0x1F780] =	vst v63  }
0x4e: {  	s29 =	simm.s32 $0x14050  }
0x4f: {  	[tilespmem:s23], [sflag:$0x2] =	stream.indirect.gather [hbm4b:s1+s22], $0x80, s29, s22, $0xb8;
	[tilespmem:$0x1F780] =	vst v63  }
0x50: {  	_ =	swait.ge [sflag:s24], $0x2800  }
0x51: {  	[sflag:s24] =	ssyncset.done $0x0  }
0x52: {  	s29 =	simm.s32 $0x140A0;
	[sflag:s24] =	ssyncadd.s32 $0xFFFFD800  }
0x53: {  	[tilespmem:s21], [sflag:$0x1] =	stream.indirect.gather [hbm4b:s1+s22], $0x80, s29, s22, $0xb8;
	[tilespmem:$0x1F780] =	vst v63  }
0x54: {  	_ =	swait.ge [sflag:s26], $0x2800  }
0x55: {  	s30 =	simm.s32 $0xFFFF6A00;
	s29 =	simm.s32 $0xFFFFD9E0;
	[sflag:s26] =	ssyncset.done $0x0  }
.LBB2_4:
0x56: {  	s31 =	sadd.s32 $0x16710, s29  }
0x57: {  	[sflag:s26] =	ssyncadd.s32 $0xFFFFD800;
	s2 =	smov.u32 s30;
	s0 =	sadd.s32 $0x280, s30  }
0x58: {  	[tilespmem:s23], [sflag:$0x2] =	stream.indirect.gather [hbm4b:s1+s22], $0x80, s31, s22, $0xb8;
	[tilespmem:$0x1F780] =	vst v63  }
0x59: {  	p0 =	sne.s32 s30, $0xFFFFFD80;
	_ =	swait.ge [sflag:s24], $0x2800  }
.Ltmp1:
0x5a: {  	[sflag:s24] =	ssyncset.done $0x0;
	(pc) =	sbr.rel @p0 .LBB2_4-.Ltmp1, $4  }
0x5b: {  	s29 =	sadd.s32 $0x16760, s29;
	[sflag:s24] =	ssyncadd.s32 $0xFFFFD800  }
0x5c: {  	[tilespmem:s21], [sflag:$0x1] =	stream.indirect.gather [hbm4b:s1+s22], $0x80, s29, s22, $0xb8;
	[tilespmem:$0x1F780] =	vst v63  }
0x5d: {  	_ =	swait.ge [sflag:s26], $0x2800  }
0x5e: {  	s30 =	smov.u32 s0;
	s29 =	sshra.s32 s2, $0x2;
	[sflag:s26] =	ssyncset.done $0x0  }
0x5f: {  	s0 =	sadd.s32 $0x16710, s29;
	[sflag:s26] =	ssyncadd.s32 $0xFFFFD800  }
0x60: {  	[tilespmem:s23], [sflag:$0x2] =	stream.indirect.gather [hbm4b:s1+s22], $0x80, s0, s22, $0xb8;
	[tilespmem:$0x1F780] =	vst v63  }
0x61: {  	_ =	swait.ge [sflag:s24], $0x2800  }
0x62: {  	[sflag:s24] =	ssyncset.done $0x0  }
0x63: {  	s30 =	sadd.s32 $0x16760, s29;
	[sflag:s24] =	ssyncadd.s32 $0xFFFFD800  }
0x64: {  	[tilespmem:s21], [sflag:$0x1] =	stream.indirect.gather [hbm4b:s1+s22], $0x80, s30, s22, $0xb8;
	[tilespmem:$0x1F780] =	vst v63  }
0x65: {  	_ =	swait.ge [sflag:s26], $0x2800  }
0x66: {  	[sflag:s26] =	ssyncset.done $0x0  }
0x67: {  	[sflag:s26] =	ssyncadd.s32 $0xFFFFD800  }
0x68: {  	_ =	swait.ge [sflag:s24], $0x2800  }
0x69: {  	s28 =	sadd.s32 $0x1, s28;
	[sflag:s24] =	ssyncset.done $0x0  }
0x6a: {  	p0 =	sne.s32 s28, s8;
	[sflag:s24] =	ssyncadd.s32 $0xFFFFD800  }
.Ltmp2:
0x6b: {  	s31 =	sshrl.u32 s7, $0x3;
	[bflag:$0x0] =	sbarrier.arrive $0xFFFF;
	(pc) =	sbr.rel @p0 .LBB2_1-.Ltmp2, $4  }
0x6c: {  	[hbm:s6], [sflag:s25] =	dma.local [spmem:s31], $0x2800  }
0x6d: {  	_ =	swait.ge [sflag:s19], $0x2800  }
0x6e: {  	[sflag:s19] =	ssyncset.done $0x0  }
0x6f: {  	[sflag:s19] =	ssyncadd.s32 $0xFFFFD800  }
0x70: {  	_ =	sfence.sel $0x180000  }
0x71: {  	[bflag:$0x0] =	sbarrier.arrive $0xFFFF  }
0x72: {  	_ =	strace $0x90000047  }
0x73: {  	s0 =	stileid.u32;
	[bflag:$0x2] =	sbarrier.arrive $0xFFFF  }
0x74: {  	p0 =	sne.s32 s0, $0x0;
	s0 =	rddreg [dreg:$0x3]  }
0x75: {  	s0 =	sadd.s32 @!p0 $0x100000, s0  }
0x76: {  	[sflag:s0] =	ssyncadd.tile.s32 @!p0 $0x1;
	_ =	shalt  }
.Lfunc_end2:
_tile_overlayer_lowered:
.L_overlay_start_2:
0x77: {  	(tag) =	ssettag $0x2  }
0x78: {  	s0 =	rddreg [dreg:$0x0];
	s2 =	stileid.u32  }
0x79: {  	s1 =	rddreg [dreg:$0x1];
	p0 =	sne.s32 s2, $0x0  }
0x7a: {  	s3 =	rddreg [dreg:$0x2];
	[bflag:$0x3] =	sbarrier.arrive $0xFFFF;
	s2 =	simm.s32 @!p0 $0x1C03  }
0x7b: {  	[timem:s3], [sflag:s2] =	dma.local @!p0 [hbm:s0], s1  }
0x7c: {  	s0 =	simm.s32 @!p0 $0x3  }
0x7d: {  	_ =	swait.ge @!p0 [sflag:s0], s1  }
0x7e: {  	s1 =	ssub.s32 @!p0 $0x0, s1;
	[sflag:s0] =	ssyncset.done @!p0 $0x0  }
0x7f: {  	[sflag:s0] =	ssyncadd.s32 @!p0 s1  }
0x80: {  	[bflag:$0x3] =	sbarrier.arrive $0xFFFF  }
0x81: {  	_ =	shalt  }

</sc_bundles>
